<compile_context>
chip_gen: v7x
topology: tpu7x:2x2x1
jax: 0.10.2.dev20260603
libtpu: 0.0.44.dev20260713+nightly
codegen_flags: <defaults>
</compile_context>

<pallas_src>
import jax
import jax.numpy as jnp
from jax import lax
from jax.experimental import pallas as pl
from jax.experimental.pallas import tpu as pltpu
from jax.experimental.pallas import tpu_sc as plsc

NC = 2
NS = 16
CH = 128
NBUF = 2


def _make_agg(n_nodes, dh, npad, m, with_deg):
    rpt = npad // NS
    last = n_nodes - (NS - 1) * rpt
    assert 0 < last <= rpt
    mesh = plsc.VectorSubcoreMesh(core_axis_name="c", subcore_axis_name="s")
    zchunks = [(k * CH, CH) for k in range(rpt // CH)]
    if rpt % CH:
        zchunks.append(((rpt // CH) * CH, rpt % CH))

    def body(*refs):
        if with_deg:
            (hs_hbm, src_hbm, dst_hbm, zeros_hbm, ones16_hbm, zeros16_hbm,
             out_hbm, deg_hbm, src_v, dst_v, *rest) = refs
            rows = rest[:NBUF]
            acc = rest[NBUF]
            sems = rest[NBUF + 1:2 * NBUF + 1]
            ones_v, dacc, semd = rest[2 * NBUF + 1:]
        else:
            (hs_hbm, src_hbm, dst_hbm, zeros_hbm,
             out_hbm, src_v, dst_v, *rest) = refs
            rows = rest[:NBUF]
            acc = rest[NBUF]
            sems = rest[NBUF + 1:2 * NBUF + 1]
        c = lax.axis_index("c")
        s = lax.axis_index("s")
        hc_hbm = hs_hbm.at[c]

        pltpu.sync_copy(src_hbm.at[s], src_v)
        pltpu.sync_copy(dst_hbm.at[s], dst_v)
        for off, sz in zchunks:
            pltpu.sync_copy(zeros_hbm.at[pl.ds(0, sz)],
                            acc.at[pl.ds(s * rpt + off, sz)])
        if with_deg:
            pltpu.sync_copy(ones16_hbm, ones_v)
            for off, sz in zchunks:
                pltpu.sync_copy(zeros16_hbm.at[pl.ds(0, sz)],
                                dacc.at[pl.ds(s * rpt + off, sz)])
        plsc.subcore_barrier()

        def start_gather(j, buf, sem):
            pltpu.async_copy(hc_hbm.at[src_v.at[j]], buf, sem)

        for k in range(NBUF):
            start_gather(k, rows[k], sems[k])

        def step(i, carry):
            base = NBUF * i
            for k in range(NBUF):
                j = base + k
                pltpu.make_async_copy(hc_hbm.at[src_v.at[j]],
                                      rows[k], sems[k]).wait()
                pltpu.sync_copy(rows[k], acc.at[dst_v.at[j]], add=True)
                if with_deg:
                    @pl.when(c == (k & 1))
                    def _():
                        pltpu.async_copy(ones_v, dacc.at[dst_v.at[j]],
                                         semd, add=True)

                @pl.when(j + NBUF < m)
                def _():
                    start_gather(j + NBUF, rows[k], sems[k])

            return carry

        lax.fori_loop(0, m // NBUF, step, 0)
        if with_deg:
            def drain(i, carry):
                pltpu.make_async_copy(ones_v, dacc.at[dst_v.at[0]],
                                      semd).wait()
                return carry
            lax.fori_loop(0, m // 2, drain, 0)
        plsc.subcore_barrier()

        @pl.when(s < NS - 1)
        def _():
            pltpu.sync_copy(acc.at[pl.ds(s * rpt, rpt)],
                            out_hbm.at[pl.ds(s * rpt, rpt), pl.ds(c * dh, dh)])

        @pl.when(s == NS - 1)
        def _():
            pltpu.sync_copy(acc.at[pl.ds((NS - 1) * rpt, last)],
                            out_hbm.at[pl.ds((NS - 1) * rpt, last),
                                       pl.ds(c * dh, dh)])

        if with_deg:
            @pl.when(s < NS - 1)
            def _():
                pltpu.sync_copy(dacc.at[pl.ds(s * rpt, rpt)],
                                deg_hbm.at[c].at[pl.ds(s * rpt, rpt)])

            @pl.when(s == NS - 1)
            def _():
                pltpu.sync_copy(dacc.at[pl.ds((NS - 1) * rpt, last)],
                                deg_hbm.at[c].at[pl.ds((NS - 1) * rpt, last)])

    out_type = [jax.ShapeDtypeStruct((n_nodes, 2 * dh), jnp.float32)]
    scratch = [
        pltpu.VMEM((m, CH), jnp.int32),
        pltpu.VMEM((m, CH), jnp.int32),
    ]
    scratch += [pltpu.VMEM((CH, dh), jnp.float32) for _ in range(NBUF)]
    scratch += [pltpu.VMEM_SHARED((npad, dh), jnp.float32)]
    scratch += [pltpu.SemaphoreType.DMA for _ in range(NBUF)]
    if with_deg:
        out_type.append(jax.ShapeDtypeStruct((NC, n_nodes, 16), jnp.float32))
        scratch += [pltpu.VMEM((CH, 16), jnp.float32),
                    pltpu.VMEM_SHARED((npad, 16), jnp.float32),
                    pltpu.SemaphoreType.DMA]

    return pl.kernel(
        body,
        out_type=tuple(out_type) if with_deg else out_type[0],
        compiler_params=pltpu.CompilerParams(use_tc_tiling_on_sc=False),
        mesh=mesh,
        scratch_types=scratch)


def _dgt(a, b):
    return lax.dot_general(a, b, (((1,), (1,)), ((), ())),
                           preferred_element_type=jnp.float32)


def _tc1_body(p, d0, d1, x, wl, bl, wr, o):
    dh = p.shape[1] // 2
    deg = jnp.maximum(d0[0, :, :1] + d1[0, :, :1], 1.0)
    mean = p[...] / deg
    res = jnp.maximum(_dgt(mean, wl[...]) + bl[...] + _dgt(x[...], wr[...]),
                      0.0)
    o[0] = res[:, :dh]
    o[1] = res[:, dh:]


def _tc2_body(p, d0, d1, h1s, wl, bl, wr, wv, bv, wt, bt, oh, ov, ot):
    deg = jnp.maximum(d0[0, :, :1] + d1[0, :, :1], 1.0)
    mean = p[...] / deg
    h1 = jnp.concatenate([h1s[0], h1s[1]], axis=1)
    h = _dgt(mean, wl[...]) + bl[...] + _dgt(h1, wr[...])
    oh[...] = h
    ov[...] = jnp.maximum(_dgt(h, wv[...]) + bv[...], 0.0)
    ot[...] = jnp.maximum(_dgt(h, wt[...]) + bt[...], 0.0)


def _row_spec(bn, w):
    return pl.BlockSpec((bn, w), lambda i: (i, 0))


def _plane_spec(p, bn, w):
    return pl.BlockSpec((1, bn, w), lambda i, _p=p: (_p, i, 0))


def _stk_spec(bn, w):
    return pl.BlockSpec((2, bn, w), lambda i: (0, i, 0))


def _full_spec():
    return pl.BlockSpec((128, 128), lambda i: (0, 0))


def _bias_spec():
    return pl.BlockSpec((1, 128), lambda i: (0, 0))


def kernel(x, edge_index, Wl1, bl1, Wr1, Wl2, bl2, Wr2, Wv, bv, Wt, bt):
    n, d = x.shape
    dh = d // 2
    e = edge_index.shape[1]
    m = -(-e // (NS * CH * NBUF)) * NBUF
    ep = NS * m * CH
    npad = -(-(n + 1) // (NS * 8)) * (NS * 8)

    pad = ep - e
    srcp = jnp.concatenate(
        [edge_index[0], jnp.zeros((pad,), jnp.int32)]).reshape(NS, m, CH)
    dstp = jnp.concatenate(
        [edge_index[1], jnp.full((pad,), n, jnp.int32)]).reshape(NS, m, CH)
    zeros = jnp.zeros((CH, dh), jnp.float32)
    ones16 = jnp.ones((CH, 16), jnp.float32)
    zeros16 = jnp.zeros((CH, 16), jnp.float32)

    agg_deg = _make_agg(n, dh, npad, m, with_deg=True)
    agg = _make_agg(n, dh, npad, m, with_deg=False)

    xs = jnp.stack([x[:, :dh], x[:, dh:]])
    agg1, degp = agg_deg(xs, srcp, dstp, zeros, ones16, zeros16)

    bn = 1000
    grid = (n // bn,)
    h1s = pl.pallas_call(
        _tc1_body,
        grid=grid,
        in_specs=[_row_spec(bn, d),
                  _plane_spec(0, bn, 16), _plane_spec(1, bn, 16),
                  _row_spec(bn, d), _full_spec(), _bias_spec(), _full_spec()],
        out_specs=_stk_spec(bn, dh),
        out_shape=jax.ShapeDtypeStruct((2, n, dh), jnp.float32),
    )(agg1, degp, degp, x, Wl1, bl1.reshape(1, d), Wr1)

    agg2 = agg(h1s, srcp, dstp, zeros)

    h, xv, xt = pl.pallas_call(
        _tc2_body,
        grid=grid,
        in_specs=[_row_spec(bn, d),
                  _plane_spec(0, bn, 16), _plane_spec(1, bn, 16),
                  _stk_spec(bn, dh),
                  _full_spec(), _bias_spec(), _full_spec(),
                  _full_spec(), _bias_spec(),
                  _full_spec(), _bias_spec()],
        out_specs=[_row_spec(bn, d), _row_spec(bn, d), _row_spec(bn, d)],
        out_shape=[jax.ShapeDtypeStruct((n, d), jnp.float32),
                   jax.ShapeDtypeStruct((n, d), jnp.float32),
                   jax.ShapeDtypeStruct((n, d), jnp.float32)],
    )(agg2, degp, degp, h1s, Wl2, bl2.reshape(1, d), Wr2,
      Wv, bv.reshape(1, d), Wt, bt.reshape(1, d))

    return (h, xv, xt)

# --- scband reference (transcript-rebuilt; emitter-appended) ---
"""Pipeline reference for scband-graph-sage-29712583754274 (READ-ONLY COPY).

The authoritative reference and input builder live on the scoring server;
editing this copy changes nothing except your own understanding.
"""

import jax, jax.numpy as jnp
import numpy as np

N = 10000
E = 320000
D = 128


def _lin_w(k, din, dout):
    s = 1.0 / np.sqrt(din)
    return jax.random.uniform(k, (dout, din), minval=-s, maxval=s, dtype=jnp.float32)


def setup_inputs(seed: int = 0):
    key = jax.random.key(seed)
    ks = jax.random.split(key, 12)
    x = jax.random.normal(ks[0], (N, D), dtype=jnp.float32)
    edge_index = jax.random.randint(ks[1], (2, E), 0, N, dtype=jnp.int32)
    Wl1 = _lin_w(ks[2], D, D)
    bl1 = jax.random.uniform(ks[3], (D,), minval=-1.0/np.sqrt(D), maxval=1.0/np.sqrt(D), dtype=jnp.float32)
    Wr1 = _lin_w(ks[4], D, D)
    Wl2 = _lin_w(ks[5], D, D)
    bl2 = jax.random.uniform(ks[6], (D,), minval=-1.0/np.sqrt(D), maxval=1.0/np.sqrt(D), dtype=jnp.float32)
    Wr2 = _lin_w(ks[7], D, D)
    Wv = _lin_w(ks[8], D, D)
    bv = jax.random.uniform(ks[9], (D,), minval=-1.0/np.sqrt(D), maxval=1.0/np.sqrt(D), dtype=jnp.float32)
    Wt = _lin_w(ks[10], D, D)
    bt = jax.random.uniform(ks[11], (D,), minval=-1.0/np.sqrt(D), maxval=1.0/np.sqrt(D), dtype=jnp.float32)
    return {"x": x, "edge_index": edge_index, "Wl1": Wl1, "bl1": bl1, "Wr1": Wr1, "Wl2": Wl2, "bl2": bl2, "Wr2": Wr2, "Wv": Wv, "bv": bv, "Wt": Wt, "bt": bt}


def _sage_conv(h, edge_index, Wl, bl, Wr):
    # PyG SAGEConv with mean aggregation:
    # out = lin_l(mean_{j in N(i)} x_j) + lin_r(x_i)
    src = edge_index[0]
    dst = edge_index[1]
    msgs = jnp.take(h, src, axis=0)
    agg = jax.ops.segment_sum(msgs, dst, num_segments=N)
    deg = jax.ops.segment_sum(jnp.ones((E,), dtype=jnp.float32), dst, num_segments=N)
    mean = agg / jnp.clip(deg, 1.0)[:, None]
    return mean @ Wl.T + bl + h @ Wr.T


def reference(x, edge_index, Wl1, bl1, Wr1, Wl2, bl2, Wr2, Wv, bv, Wt, bt):
    # layer 1 (relu between layers; dropout is identity in eval mode)
    h = _sage_conv(x, edge_index, Wl1, bl1, Wr1)
    h = jax.nn.relu(h)
    # layer 2 (last layer, no relu)
    h = _sage_conv(h, edge_index, Wl2, bl2, Wr2)
    x_vision = jax.nn.relu(h @ Wv.T + bv)
    x_text = jax.nn.relu(h @ Wt.T + bt)
    return (h, x_vision, x_text)

if __name__ == "__main__":
    import jax
    _d = setup_inputs()
    print(jax.jit(kernel)(*tuple(_d.values())))

</pallas_src>

<mosaic_0001>
#map = affine_map<(d0, d1) -> (0, 0, 0)>
#map1 = affine_map<(d0, d1) -> (0, 0)>
module attributes {stable_mosaic.version = 14 : i64} {
  func.func @body(%arg0: i32, %arg1: i32, %arg2: memref<2x10000x64xf32, #tpu.memory_space<hbm>>, %arg3: memref<16x158x128xi32, #tpu.memory_space<hbm>>, %arg4: memref<16x158x128xi32, #tpu.memory_space<hbm>>, %arg5: memref<128x64xf32, #tpu.memory_space<hbm>>, %arg6: memref<10000x128xf32, #tpu.memory_space<hbm>>, %arg7: memref<158x128xi32, #tpu.memory_space<vmem>>, %arg8: memref<158x128xi32, #tpu.memory_space<vmem>>, %arg9: memref<128x64xf32, #tpu.memory_space<vmem>>, %arg10: memref<128x64xf32, #tpu.memory_space<vmem>>, %arg11: memref<10112x64xf32, #tpu.memory_space<vmem_shared>>, %arg12: memref<!tpu.dma_semaphore, #tpu.memory_space<semaphore_mem>>, %arg13: memref<!tpu.dma_semaphore, #tpu.memory_space<semaphore_mem>>) attributes {dimension_semantics = [#tpu.dimension_semantics<core_parallel>, #tpu.dimension_semantics<subcore_parallel>], iteration_bounds = array<i64: 2, 16>, scalar_prefetch = 0 : i64, scratch_operands = 7 : i64, tpu.core_type = #tpu.core_type<sc_vector_subcore>, window_params = [{transform_indices = #map}, {transform_indices = #map}, {transform_indices = #map}, {transform_indices = #map1}, {transform_indices = #map1}]} {
    "tpu.region"() ({
      %run_scoped3A = tpu.sem_alloc : memref<!tpu.dma_semaphore, #tpu.memory_space<semaphore_mem>>
      %dma_start3A_51 = arith.constant 0 : i32
      %dma_start3A_52 = arith.constant 0 : i32
      %dma_start3A_53 = tpu.memref_slice %arg3[%arg1, %dma_start3A_51, %dma_start3A_52] : memref<16x158x128xi32, #tpu.memory_space<hbm>> -> memref<1x158x128xi32, #tpu.memory_space<hbm>>
      %dma_start3A_54 = tpu.memref_squeeze %dma_start3A_53 : memref<1x158x128xi32, #tpu.memory_space<hbm>> -> memref<158x128xi32, #tpu.memory_space<hbm>>
      %dma_start3A_55 = arith.constant 0 : i32
      %dma_start3A_56 = arith.constant 0 : i32
      %dma_start3A_57 = tpu.memref_slice %arg3[%arg1, %dma_start3A_55, %dma_start3A_56] : memref<16x158x128xi32, #tpu.memory_space<hbm>> -> memref<1x158x128xi32, #tpu.memory_space<hbm>>
      %dma_start3A_58 = tpu.memref_squeeze %dma_start3A_57 : memref<1x158x128xi32, #tpu.memory_space<hbm>> -> memref<158x128xi32, #tpu.memory_space<hbm>>
      tpu.enqueue_dma source(%dma_start3A_58 : memref<158x128xi32, #tpu.memory_space<hbm>>) target(%arg7 : memref<158x128xi32, #tpu.memory_space<vmem>>) target_semaphore(%run_scoped3A : memref<!tpu.dma_semaphore, #tpu.memory_space<semaphore_mem>>)
      %dma_wait3A = arith.constant 0 : i32
      %dma_wait3A_59 = arith.constant 0 : i32
      %dma_wait3A_60 = tpu.memref_slice %arg3[%arg1, %dma_wait3A, %dma_wait3A_59] : memref<16x158x128xi32, #tpu.memory_space<hbm>> -> memref<1x158x128xi32, #tpu.memory_space<hbm>>
      %dma_wait3A_61 = tpu.memref_squeeze %dma_wait3A_60 : memref<1x158x128xi32, #tpu.memory_space<hbm>> -> memref<158x128xi32, #tpu.memory_space<hbm>>
      %dma_wait3A_62 = arith.constant 0 : i32
      %dma_wait3A_63 = arith.constant 0 : i32
      %dma_wait3A_64 = tpu.memref_slice %arg3[%arg1, %dma_wait3A_62, %dma_wait3A_63] : memref<16x158x128xi32, #tpu.memory_space<hbm>> -> memref<1x158x128xi32, #tpu.memory_space<hbm>>
      %dma_wait3A_65 = tpu.memref_squeeze %dma_wait3A_64 : memref<1x158x128xi32, #tpu.memory_space<hbm>> -> memref<158x128xi32, #tpu.memory_space<hbm>>
      tpu.wait_dma2 semaphore(%run_scoped3A : memref<!tpu.dma_semaphore, #tpu.memory_space<semaphore_mem>>) src(%dma_wait3A_65 : memref<158x128xi32, #tpu.memory_space<hbm>>) dst(%arg7 : memref<158x128xi32, #tpu.memory_space<vmem>>)
      tpu.yield
    }) : () -> ()
    "tpu.region"() ({
      %run_scoped3A = tpu.sem_alloc : memref<!tpu.dma_semaphore, #tpu.memory_space<semaphore_mem>>
      %dma_start3A_51 = arith.constant 0 : i32
      %dma_start3A_52 = arith.constant 0 : i32
      %dma_start3A_53 = tpu.memref_slice %arg4[%arg1, %dma_start3A_51, %dma_start3A_52] : memref<16x158x128xi32, #tpu.memory_space<hbm>> -> memref<1x158x128xi32, #tpu.memory_space<hbm>>
      %dma_start3A_54 = tpu.memref_squeeze %dma_start3A_53 : memref<1x158x128xi32, #tpu.memory_space<hbm>> -> memref<158x128xi32, #tpu.memory_space<hbm>>
      %dma_start3A_55 = arith.constant 0 : i32
      %dma_start3A_56 = arith.constant 0 : i32
      %dma_start3A_57 = tpu.memref_slice %arg4[%arg1, %dma_start3A_55, %dma_start3A_56] : memref<16x158x128xi32, #tpu.memory_space<hbm>> -> memref<1x158x128xi32, #tpu.memory_space<hbm>>
      %dma_start3A_58 = tpu.memref_squeeze %dma_start3A_57 : memref<1x158x128xi32, #tpu.memory_space<hbm>> -> memref<158x128xi32, #tpu.memory_space<hbm>>
      tpu.enqueue_dma source(%dma_start3A_58 : memref<158x128xi32, #tpu.memory_space<hbm>>) target(%arg8 : memref<158x128xi32, #tpu.memory_space<vmem>>) target_semaphore(%run_scoped3A : memref<!tpu.dma_semaphore, #tpu.memory_space<semaphore_mem>>)
      %dma_wait3A = arith.constant 0 : i32
      %dma_wait3A_59 = arith.constant 0 : i32
      %dma_wait3A_60 = tpu.memref_slice %arg4[%arg1, %dma_wait3A, %dma_wait3A_59] : memref<16x158x128xi32, #tpu.memory_space<hbm>> -> memref<1x158x128xi32, #tpu.memory_space<hbm>>
      %dma_wait3A_61 = tpu.memref_squeeze %dma_wait3A_60 : memref<1x158x128xi32, #tpu.memory_space<hbm>> -> memref<158x128xi32, #tpu.memory_space<hbm>>
      %dma_wait3A_62 = arith.constant 0 : i32
      %dma_wait3A_63 = arith.constant 0 : i32
      %dma_wait3A_64 = tpu.memref_slice %arg4[%arg1, %dma_wait3A_62, %dma_wait3A_63] : memref<16x158x128xi32, #tpu.memory_space<hbm>> -> memref<1x158x128xi32, #tpu.memory_space<hbm>>
      %dma_wait3A_65 = tpu.memref_squeeze %dma_wait3A_64 : memref<1x158x128xi32, #tpu.memory_space<hbm>> -> memref<158x128xi32, #tpu.memory_space<hbm>>
      tpu.wait_dma2 semaphore(%run_scoped3A : memref<!tpu.dma_semaphore, #tpu.memory_space<semaphore_mem>>) src(%dma_wait3A_65 : memref<158x128xi32, #tpu.memory_space<hbm>>) dst(%arg8 : memref<158x128xi32, #tpu.memory_space<vmem>>)
      tpu.yield
    }) : () -> ()
    %mul3A = arith.constant 632 : i32
    %mul3A_0 = arith.muli %arg1, %mul3A : i32
    %add3A = arith.constant 0 : i32
    %add3A_1 = arith.addi %mul3A_0, %add3A : i32
    "tpu.region"() ({
      %run_scoped3A = tpu.sem_alloc : memref<!tpu.dma_semaphore, #tpu.memory_space<semaphore_mem>>
      %dma_start3A_51 = arith.constant 0 : i32
      %dma_start3A_52 = tpu.memref_slice %arg11[%add3A_1, %dma_start3A_51] : memref<10112x64xf32, #tpu.memory_space<vmem_shared>> -> memref<128x64xf32, #tpu.memory_space<vmem_shared>>
      %dma_start3A_53 = arith.constant 0 : i32
      %dma_start3A_54 = arith.constant 0 : i32
      %dma_start3A_55 = tpu.memref_slice %arg5[%dma_start3A_53, %dma_start3A_54] : memref<128x64xf32, #tpu.memory_space<hbm>> -> memref<128x64xf32, #tpu.memory_space<hbm>>
      tpu.enqueue_dma source(%dma_start3A_55 : memref<128x64xf32, #tpu.memory_space<hbm>>) target(%dma_start3A_52 : memref<128x64xf32, #tpu.memory_space<vmem_shared>>) target_semaphore(%run_scoped3A : memref<!tpu.dma_semaphore, #tpu.memory_space<semaphore_mem>>)
      %dma_wait3A = arith.constant 0 : i32
      %dma_wait3A_56 = tpu.memref_slice %arg11[%add3A_1, %dma_wait3A] : memref<10112x64xf32, #tpu.memory_space<vmem_shared>> -> memref<128x64xf32, #tpu.memory_space<vmem_shared>>
      %dma_wait3A_57 = arith.constant 0 : i32
      %dma_wait3A_58 = arith.constant 0 : i32
      %dma_wait3A_59 = tpu.memref_slice %arg5[%dma_wait3A_57, %dma_wait3A_58] : memref<128x64xf32, #tpu.memory_space<hbm>> -> memref<128x64xf32, #tpu.memory_space<hbm>>
      tpu.wait_dma2 semaphore(%run_scoped3A : memref<!tpu.dma_semaphore, #tpu.memory_space<semaphore_mem>>) src(%dma_wait3A_59 : memref<128x64xf32, #tpu.memory_space<hbm>>) dst(%dma_wait3A_56 : memref<128x64xf32, #tpu.memory_space<vmem_shared>>)
      tpu.yield
    }) : () -> ()
    %mul3A_2 = arith.constant 632 : i32
    %mul3A_3 = arith.muli %arg1, %mul3A_2 : i32
    %add3A_4 = arith.constant 128 : i32
    %add3A_5 = arith.addi %mul3A_3, %add3A_4 : i32
    "tpu.region"() ({
      %run_scoped3A = tpu.sem_alloc : memref<!tpu.dma_semaphore, #tpu.memory_space<semaphore_mem>>
      %dma_start3A_51 = arith.constant 0 : i32
      %dma_start3A_52 = tpu.memref_slice %arg11[%add3A_5, %dma_start3A_51] : memref<10112x64xf32, #tpu.memory_space<vmem_shared>> -> memref<128x64xf32, #tpu.memory_space<vmem_shared>>
      %dma_start3A_53 = arith.constant 0 : i32
      %dma_start3A_54 = arith.constant 0 : i32
      %dma_start3A_55 = tpu.memref_slice %arg5[%dma_start3A_53, %dma_start3A_54] : memref<128x64xf32, #tpu.memory_space<hbm>> -> memref<128x64xf32, #tpu.memory_space<hbm>>
      tpu.enqueue_dma source(%dma_start3A_55 : memref<128x64xf32, #tpu.memory_space<hbm>>) target(%dma_start3A_52 : memref<128x64xf32, #tpu.memory_space<vmem_shared>>) target_semaphore(%run_scoped3A : memref<!tpu.dma_semaphore, #tpu.memory_space<semaphore_mem>>)
      %dma_wait3A = arith.constant 0 : i32
      %dma_wait3A_56 = tpu.memref_slice %arg11[%add3A_5, %dma_wait3A] : memref<10112x64xf32, #tpu.memory_space<vmem_shared>> -> memref<128x64xf32, #tpu.memory_space<vmem_shared>>
      %dma_wait3A_57 = arith.constant 0 : i32
      %dma_wait3A_58 = arith.constant 0 : i32
      %dma_wait3A_59 = tpu.memref_slice %arg5[%dma_wait3A_57, %dma_wait3A_58] : memref<128x64xf32, #tpu.memory_space<hbm>> -> memref<128x64xf32, #tpu.memory_space<hbm>>
      tpu.wait_dma2 semaphore(%run_scoped3A : memref<!tpu.dma_semaphore, #tpu.memory_space<semaphore_mem>>) src(%dma_wait3A_59 : memref<128x64xf32, #tpu.memory_space<hbm>>) dst(%dma_wait3A_56 : memref<128x64xf32, #tpu.memory_space<vmem_shared>>)
      tpu.yield
    }) : () -> ()
    %mul3A_6 = arith.constant 632 : i32
    %mul3A_7 = arith.muli %arg1, %mul3A_6 : i32
    %add3A_8 = arith.constant 256 : i32
    %add3A_9 = arith.addi %mul3A_7, %add3A_8 : i32
    "tpu.region"() ({
      %run_scoped3A = tpu.sem_alloc : memref<!tpu.dma_semaphore, #tpu.memory_space<semaphore_mem>>
      %dma_start3A_51 = arith.constant 0 : i32
      %dma_start3A_52 = tpu.memref_slice %arg11[%add3A_9, %dma_start3A_51] : memref<10112x64xf32, #tpu.memory_space<vmem_shared>> -> memref<128x64xf32, #tpu.memory_space<vmem_shared>>
      %dma_start3A_53 = arith.constant 0 : i32
      %dma_start3A_54 = arith.constant 0 : i32
      %dma_start3A_55 = tpu.memref_slice %arg5[%dma_start3A_53, %dma_start3A_54] : memref<128x64xf32, #tpu.memory_space<hbm>> -> memref<128x64xf32, #tpu.memory_space<hbm>>
      tpu.enqueue_dma source(%dma_start3A_55 : memref<128x64xf32, #tpu.memory_space<hbm>>) target(%dma_start3A_52 : memref<128x64xf32, #tpu.memory_space<vmem_shared>>) target_semaphore(%run_scoped3A : memref<!tpu.dma_semaphore, #tpu.memory_space<semaphore_mem>>)
      %dma_wait3A = arith.constant 0 : i32
      %dma_wait3A_56 = tpu.memref_slice %arg11[%add3A_9, %dma_wait3A] : memref<10112x64xf32, #tpu.memory_space<vmem_shared>> -> memref<128x64xf32, #tpu.memory_space<vmem_shared>>
      %dma_wait3A_57 = arith.constant 0 : i32
      %dma_wait3A_58 = arith.constant 0 : i32
      %dma_wait3A_59 = tpu.memref_slice %arg5[%dma_wait3A_57, %dma_wait3A_58] : memref<128x64xf32, #tpu.memory_space<hbm>> -> memref<128x64xf32, #tpu.memory_space<hbm>>
      tpu.wait_dma2 semaphore(%run_scoped3A : memref<!tpu.dma_semaphore, #tpu.memory_space<semaphore_mem>>) src(%dma_wait3A_59 : memref<128x64xf32, #tpu.memory_space<hbm>>) dst(%dma_wait3A_56 : memref<128x64xf32, #tpu.memory_space<vmem_shared>>)
      tpu.yield
    }) : () -> ()
    %mul3A_10 = arith.constant 632 : i32
    %mul3A_11 = arith.muli %arg1, %mul3A_10 : i32
    %add3A_12 = arith.constant 384 : i32
    %add3A_13 = arith.addi %mul3A_11, %add3A_12 : i32
    "tpu.region"() ({
      %run_scoped3A = tpu.sem_alloc : memref<!tpu.dma_semaphore, #tpu.memory_space<semaphore_mem>>
      %dma_start3A_51 = arith.constant 0 : i32
      %dma_start3A_52 = tpu.memref_slice %arg11[%add3A_13, %dma_start3A_51] : memref<10112x64xf32, #tpu.memory_space<vmem_shared>> -> memref<128x64xf32, #tpu.memory_space<vmem_shared>>
      %dma_start3A_53 = arith.constant 0 : i32
      %dma_start3A_54 = arith.constant 0 : i32
      %dma_start3A_55 = tpu.memref_slice %arg5[%dma_start3A_53, %dma_start3A_54] : memref<128x64xf32, #tpu.memory_space<hbm>> -> memref<128x64xf32, #tpu.memory_space<hbm>>
      tpu.enqueue_dma source(%dma_start3A_55 : memref<128x64xf32, #tpu.memory_space<hbm>>) target(%dma_start3A_52 : memref<128x64xf32, #tpu.memory_space<vmem_shared>>) target_semaphore(%run_scoped3A : memref<!tpu.dma_semaphore, #tpu.memory_space<semaphore_mem>>)
      %dma_wait3A = arith.constant 0 : i32
      %dma_wait3A_56 = tpu.memref_slice %arg11[%add3A_13, %dma_wait3A] : memref<10112x64xf32, #tpu.memory_space<vmem_shared>> -> memref<128x64xf32, #tpu.memory_space<vmem_shared>>
      %dma_wait3A_57 = arith.constant 0 : i32
      %dma_wait3A_58 = arith.constant 0 : i32
      %dma_wait3A_59 = tpu.memref_slice %arg5[%dma_wait3A_57, %dma_wait3A_58] : memref<128x64xf32, #tpu.memory_space<hbm>> -> memref<128x64xf32, #tpu.memory_space<hbm>>
      tpu.wait_dma2 semaphore(%run_scoped3A : memref<!tpu.dma_semaphore, #tpu.memory_space<semaphore_mem>>) src(%dma_wait3A_59 : memref<128x64xf32, #tpu.memory_space<hbm>>) dst(%dma_wait3A_56 : memref<128x64xf32, #tpu.memory_space<vmem_shared>>)
      tpu.yield
    }) : () -> ()
    %mul3A_14 = arith.constant 632 : i32
    %mul3A_15 = arith.muli %arg1, %mul3A_14 : i32
    %add3A_16 = arith.constant 512 : i32
    %add3A_17 = arith.addi %mul3A_15, %add3A_16 : i32
    "tpu.region"() ({
      %run_scoped3A = tpu.sem_alloc : memref<!tpu.dma_semaphore, #tpu.memory_space<semaphore_mem>>
      %dma_start3A_51 = arith.constant 0 : i32
      %dma_start3A_52 = tpu.memref_slice %arg11[%add3A_17, %dma_start3A_51] : memref<10112x64xf32, #tpu.memory_space<vmem_shared>> -> memref<120x64xf32, #tpu.memory_space<vmem_shared>>
      %dma_start3A_53 = arith.constant 0 : i32
      %dma_start3A_54 = arith.constant 0 : i32
      %dma_start3A_55 = tpu.memref_slice %arg5[%dma_start3A_53, %dma_start3A_54] : memref<128x64xf32, #tpu.memory_space<hbm>> -> memref<120x64xf32, #tpu.memory_space<hbm>>
      tpu.enqueue_dma source(%dma_start3A_55 : memref<120x64xf32, #tpu.memory_space<hbm>>) target(%dma_start3A_52 : memref<120x64xf32, #tpu.memory_space<vmem_shared>>) target_semaphore(%run_scoped3A : memref<!tpu.dma_semaphore, #tpu.memory_space<semaphore_mem>>)
      %dma_wait3A = arith.constant 0 : i32
      %dma_wait3A_56 = tpu.memref_slice %arg11[%add3A_17, %dma_wait3A] : memref<10112x64xf32, #tpu.memory_space<vmem_shared>> -> memref<120x64xf32, #tpu.memory_space<vmem_shared>>
      %dma_wait3A_57 = arith.constant 0 : i32
      %dma_wait3A_58 = arith.constant 0 : i32
      %dma_wait3A_59 = tpu.memref_slice %arg5[%dma_wait3A_57, %dma_wait3A_58] : memref<128x64xf32, #tpu.memory_space<hbm>> -> memref<120x64xf32, #tpu.memory_space<hbm>>
      tpu.wait_dma2 semaphore(%run_scoped3A : memref<!tpu.dma_semaphore, #tpu.memory_space<semaphore_mem>>) src(%dma_wait3A_59 : memref<120x64xf32, #tpu.memory_space<hbm>>) dst(%dma_wait3A_56 : memref<120x64xf32, #tpu.memory_space<vmem_shared>>)
      tpu.yield
    }) : () -> ()
    %barrier3A = arith.constant 0 : index
    tpu.barrier barrier_id(%barrier3A)
    %dma_start3A = arith.constant 0 : i32
    %dma_start3A_18 = arith.constant 0 : i32
    %dma_start3A_19 = tpu.memref_slice %arg7[%dma_start3A, %dma_start3A_18] : memref<158x128xi32, #tpu.memory_space<vmem>> -> memref<1x128xi32, #tpu.memory_space<vmem>>
    %dma_start3A_20 = tpu.memref_squeeze %dma_start3A_19 : memref<1x128xi32, #tpu.memory_space<vmem>> -> memref<128xi32, #tpu.memory_space<vmem>>
    %dma_start3A_21 = arith.constant 0 : i32
    %dma_start3A_22 = arith.constant 0 : i32
    %dma_start3A_23 = tpu.memref_slice %arg2[%arg0, %dma_start3A_21, %dma_start3A_22] : memref<2x10000x64xf32, #tpu.memory_space<hbm>> -> memref<1x10000x64xf32, #tpu.memory_space<hbm>>
    %dma_start3A_24 = tpu.memref_squeeze %dma_start3A_23 : memref<1x10000x64xf32, #tpu.memory_space<hbm>> -> memref<10000x64xf32, #tpu.memory_space<hbm>>
    %dma_start3A_25 = arith.constant 0 : i32
    %dma_start3A_26 = arith.constant 0 : i32
    %dma_start3A_27 = tpu.memref_slice %dma_start3A_24[%dma_start3A_25, %dma_start3A_26] : memref<10000x64xf32, #tpu.memory_space<hbm>> -> memref<10000x64xf32, #tpu.memory_space<hbm>>
    tpu.enqueue_indirect_dma source(%dma_start3A_27 : memref<10000x64xf32, #tpu.memory_space<hbm>>) target(%arg9 : memref<128x64xf32, #tpu.memory_space<vmem>>) offsets(%dma_start3A_20 : memref<128xi32, #tpu.memory_space<vmem>>) semaphore(%arg12 : memref<!tpu.dma_semaphore, #tpu.memory_space<semaphore_mem>>)
    %dma_start3A_28 = arith.constant 1 : i32
    %dma_start3A_29 = arith.constant 0 : i32
    %dma_start3A_30 = tpu.memref_slice %arg7[%dma_start3A_28, %dma_start3A_29] : memref<158x128xi32, #tpu.memory_space<vmem>> -> memref<1x128xi32, #tpu.memory_space<vmem>>
    %dma_start3A_31 = tpu.memref_squeeze %dma_start3A_30 : memref<1x128xi32, #tpu.memory_space<vmem>> -> memref<128xi32, #tpu.memory_space<vmem>>
    %dma_start3A_32 = arith.constant 0 : i32
    %dma_start3A_33 = arith.constant 0 : i32
    %dma_start3A_34 = tpu.memref_slice %arg2[%arg0, %dma_start3A_32, %dma_start3A_33] : memref<2x10000x64xf32, #tpu.memory_space<hbm>> -> memref<1x10000x64xf32, #tpu.memory_space<hbm>>
    %dma_start3A_35 = tpu.memref_squeeze %dma_start3A_34 : memref<1x10000x64xf32, #tpu.memory_space<hbm>> -> memref<10000x64xf32, #tpu.memory_space<hbm>>
    %dma_start3A_36 = arith.constant 0 : i32
    %dma_start3A_37 = arith.constant 0 : i32
    %dma_start3A_38 = tpu.memref_slice %dma_start3A_35[%dma_start3A_36, %dma_start3A_37] : memref<10000x64xf32, #tpu.memory_space<hbm>> -> memref<10000x64xf32, #tpu.memory_space<hbm>>
    tpu.enqueue_indirect_dma source(%dma_start3A_38 : memref<10000x64xf32, #tpu.memory_space<hbm>>) target(%arg10 : memref<128x64xf32, #tpu.memory_space<vmem>>) offsets(%dma_start3A_31 : memref<128xi32, #tpu.memory_space<vmem>>) semaphore(%arg13 : memref<!tpu.dma_semaphore, #tpu.memory_space<semaphore_mem>>)
    %scan3A = arith.constant 0 : i32
    %scan3A_39 = arith.constant 0 : i32
    %scan3A_40 = arith.constant 79 : i32
    %scan3A_41 = arith.addi %scan3A_39, %scan3A_40 : i32
    %scan3A_42 = arith.constant 1 : i32
    scf.for %scan3A_51 = %scan3A_39 to %scan3A_41 step %scan3A_42  : i32 {
      %mul3A_52 = arith.constant 2 : i32
      %mul3A_53 = arith.muli %mul3A_52, %scan3A_51 : i32
      %add3A_54 = arith.constant 0 : i32
      %add3A_55 = arith.addi %mul3A_53, %add3A_54 : i32
      %dma_wait3A = arith.constant 0 : i32
      %dma_wait3A_56 = tpu.memref_slice %arg7[%add3A_55, %dma_wait3A] : memref<158x128xi32, #tpu.memory_space<vmem>> -> memref<1x128xi32, #tpu.memory_space<vmem>>
      %dma_wait3A_57 = tpu.memref_squeeze %dma_wait3A_56 : memref<1x128xi32, #tpu.memory_space<vmem>> -> memref<128xi32, #tpu.memory_space<vmem>>
      %dma_wait3A_58 = arith.constant 0 : i32
      %dma_wait3A_59 = arith.constant 0 : i32
      %dma_wait3A_60 = tpu.memref_slice %arg2[%arg0, %dma_wait3A_58, %dma_wait3A_59] : memref<2x10000x64xf32, #tpu.memory_space<hbm>> -> memref<1x10000x64xf32, #tpu.memory_space<hbm>>
      %dma_wait3A_61 = tpu.memref_squeeze %dma_wait3A_60 : memref<1x10000x64xf32, #tpu.memory_space<hbm>> -> memref<10000x64xf32, #tpu.memory_space<hbm>>
      %dma_wait3A_62 = arith.constant 0 : i32
      %dma_wait3A_63 = arith.constant 0 : i32
      %dma_wait3A_64 = tpu.memref_slice %dma_wait3A_61[%dma_wait3A_62, %dma_wait3A_63] : memref<10000x64xf32, #tpu.memory_space<hbm>> -> memref<10000x64xf32, #tpu.memory_space<hbm>>
      tpu.wait_indirect_dma semaphore(%arg12 : memref<!tpu.dma_semaphore, #tpu.memory_space<semaphore_mem>>) src(%dma_wait3A_64 : memref<10000x64xf32, #tpu.memory_space<hbm>>) dst(%arg9 : memref<128x64xf32, #tpu.memory_space<vmem>>)
      "tpu.region"() ({
        %run_scoped3A = tpu.sem_alloc : memref<!tpu.dma_semaphore, #tpu.memory_space<semaphore_mem>>
        %dma_start3A_91 = arith.constant 0 : i32
        %dma_start3A_92 = tpu.memref_slice %arg8[%add3A_55, %dma_start3A_91] : memref<158x128xi32, #tpu.memory_space<vmem>> -> memref<1x128xi32, #tpu.memory_space<vmem>>
        %dma_start3A_93 = tpu.memref_squeeze %dma_start3A_92 : memref<1x128xi32, #tpu.memory_space<vmem>> -> memref<128xi32, #tpu.memory_space<vmem>>
        %dma_start3A_94 = arith.constant 0 : i32
        %dma_start3A_95 = arith.constant 0 : i32
        %dma_start3A_96 = tpu.memref_slice %arg11[%dma_start3A_94, %dma_start3A_95] : memref<10112x64xf32, #tpu.memory_space<vmem_shared>> -> memref<10112x64xf32, #tpu.memory_space<vmem_shared>>
        tpu.enqueue_indirect_dma source(%arg9 : memref<128x64xf32, #tpu.memory_space<vmem>>) target(%dma_start3A_96 : memref<10112x64xf32, #tpu.memory_space<vmem_shared>>) offsets(%dma_start3A_93 : memref<128xi32, #tpu.memory_space<vmem>>) semaphore(%run_scoped3A : memref<!tpu.dma_semaphore, #tpu.memory_space<semaphore_mem>>) {add = true}
        %dma_wait3A_97 = arith.constant 0 : i32
        %dma_wait3A_98 = tpu.memref_slice %arg8[%add3A_55, %dma_wait3A_97] : memref<158x128xi32, #tpu.memory_space<vmem>> -> memref<1x128xi32, #tpu.memory_space<vmem>>
        %dma_wait3A_99 = tpu.memref_squeeze %dma_wait3A_98 : memref<1x128xi32, #tpu.memory_space<vmem>> -> memref<128xi32, #tpu.memory_space<vmem>>
        %dma_wait3A_100 = arith.constant 0 : i32
        %dma_wait3A_101 = arith.constant 0 : i32
        %dma_wait3A_102 = tpu.memref_slice %arg11[%dma_wait3A_100, %dma_wait3A_101] : memref<10112x64xf32, #tpu.memory_space<vmem_shared>> -> memref<10112x64xf32, #tpu.memory_space<vmem_shared>>
        tpu.wait_indirect_dma semaphore(%run_scoped3A : memref<!tpu.dma_semaphore, #tpu.memory_space<semaphore_mem>>) src(%arg9 : memref<128x64xf32, #tpu.memory_space<vmem>>) dst(%dma_wait3A_102 : memref<10112x64xf32, #tpu.memory_space<vmem_shared>>)
        tpu.yield
      }) : () -> ()
      %add3A_65 = arith.constant 2 : i32
      %add3A_66 = arith.addi %add3A_55, %add3A_65 : i32
      %lt3A_67 = arith.constant 158 : i32
      %lt3A_68 = arith.cmpi slt, %add3A_66, %lt3A_67 : i32
      %convert_element_type3A_69 = arith.extui %lt3A_68 : i1 to i32
      %cond3A_70 = arith.constant 0 : i32
      %cond3A_71 = arith.cmpi ne, %convert_element_type3A_69, %cond3A_70 : i32
      scf.if %cond3A_71 {
        %add3A_91 = arith.constant 2 : i32
        %add3A_92 = arith.addi %add3A_55, %add3A_91 : i32
        %dma_start3A_93 = arith.constant 0 : i32
        %dma_start3A_94 = tpu.memref_slice %arg7[%add3A_92, %dma_start3A_93] : memref<158x128xi32, #tpu.memory_space<vmem>> -> memref<1x128xi32, #tpu.memory_space<vmem>>
        %dma_start3A_95 = tpu.memref_squeeze %dma_start3A_94 : memref<1x128xi32, #tpu.memory_space<vmem>> -> memref<128xi32, #tpu.memory_space<vmem>>
        %dma_start3A_96 = arith.constant 0 : i32
        %dma_start3A_97 = arith.constant 0 : i32
        %dma_start3A_98 = tpu.memref_slice %arg2[%arg0, %dma_start3A_96, %dma_start3A_97] : memref<2x10000x64xf32, #tpu.memory_space<hbm>> -> memref<1x10000x64xf32, #tpu.memory_space<hbm>>
        %dma_start3A_99 = tpu.memref_squeeze %dma_start3A_98 : memref<1x10000x64xf32, #tpu.memory_space<hbm>> -> memref<10000x64xf32, #tpu.memory_space<hbm>>
        %dma_start3A_100 = arith.constant 0 : i32
        %dma_start3A_101 = arith.constant 0 : i32
        %dma_start3A_102 = tpu.memref_slice %dma_start3A_99[%dma_start3A_100, %dma_start3A_101] : memref<10000x64xf32, #tpu.memory_space<hbm>> -> memref<10000x64xf32, #tpu.memory_space<hbm>>
        tpu.enqueue_indirect_dma source(%dma_start3A_102 : memref<10000x64xf32, #tpu.memory_space<hbm>>) target(%arg9 : memref<128x64xf32, #tpu.memory_space<vmem>>) offsets(%dma_start3A_95 : memref<128xi32, #tpu.memory_space<vmem>>) semaphore(%arg12 : memref<!tpu.dma_semaphore, #tpu.memory_space<semaphore_mem>>)
      } else {
      }
      %add3A_72 = arith.constant 1 : i32
      %add3A_73 = arith.addi %mul3A_53, %add3A_72 : i32
      %dma_wait3A_74 = arith.constant 0 : i32
      %dma_wait3A_75 = tpu.memref_slice %arg7[%add3A_73, %dma_wait3A_74] : memref<158x128xi32, #tpu.memory_space<vmem>> -> memref<1x128xi32, #tpu.memory_space<vmem>>
      %dma_wait3A_76 = tpu.memref_squeeze %dma_wait3A_75 : memref<1x128xi32, #tpu.memory_space<vmem>> -> memref<128xi32, #tpu.memory_space<vmem>>
      %dma_wait3A_77 = arith.constant 0 : i32
      %dma_wait3A_78 = arith.constant 0 : i32
      %dma_wait3A_79 = tpu.memref_slice %arg2[%arg0, %dma_wait3A_77, %dma_wait3A_78] : memref<2x10000x64xf32, #tpu.memory_space<hbm>> -> memref<1x10000x64xf32, #tpu.memory_space<hbm>>
      %dma_wait3A_80 = tpu.memref_squeeze %dma_wait3A_79 : memref<1x10000x64xf32, #tpu.memory_space<hbm>> -> memref<10000x64xf32, #tpu.memory_space<hbm>>
      %dma_wait3A_81 = arith.constant 0 : i32
      %dma_wait3A_82 = arith.constant 0 : i32
      %dma_wait3A_83 = tpu.memref_slice %dma_wait3A_80[%dma_wait3A_81, %dma_wait3A_82] : memref<10000x64xf32, #tpu.memory_space<hbm>> -> memref<10000x64xf32, #tpu.memory_space<hbm>>
      tpu.wait_indirect_dma semaphore(%arg13 : memref<!tpu.dma_semaphore, #tpu.memory_space<semaphore_mem>>) src(%dma_wait3A_83 : memref<10000x64xf32, #tpu.memory_space<hbm>>) dst(%arg10 : memref<128x64xf32, #tpu.memory_space<vmem>>)
      "tpu.region"() ({
        %run_scoped3A = tpu.sem_alloc : memref<!tpu.dma_semaphore, #tpu.memory_space<semaphore_mem>>
        %dma_start3A_91 = arith.constant 0 : i32
        %dma_start3A_92 = tpu.memref_slice %arg8[%add3A_73, %dma_start3A_91] : memref<158x128xi32, #tpu.memory_space<vmem>> -> memref<1x128xi32, #tpu.memory_space<vmem>>
        %dma_start3A_93 = tpu.memref_squeeze %dma_start3A_92 : memref<1x128xi32, #tpu.memory_space<vmem>> -> memref<128xi32, #tpu.memory_space<vmem>>
        %dma_start3A_94 = arith.constant 0 : i32
        %dma_start3A_95 = arith.constant 0 : i32
        %dma_start3A_96 = tpu.memref_slice %arg11[%dma_start3A_94, %dma_start3A_95] : memref<10112x64xf32, #tpu.memory_space<vmem_shared>> -> memref<10112x64xf32, #tpu.memory_space<vmem_shared>>
        tpu.enqueue_indirect_dma source(%arg10 : memref<128x64xf32, #tpu.memory_space<vmem>>) target(%dma_start3A_96 : memref<10112x64xf32, #tpu.memory_space<vmem_shared>>) offsets(%dma_start3A_93 : memref<128xi32, #tpu.memory_space<vmem>>) semaphore(%run_scoped3A : memref<!tpu.dma_semaphore, #tpu.memory_space<semaphore_mem>>) {add = true}
        %dma_wait3A_97 = arith.constant 0 : i32
        %dma_wait3A_98 = tpu.memref_slice %arg8[%add3A_73, %dma_wait3A_97] : memref<158x128xi32, #tpu.memory_space<vmem>> -> memref<1x128xi32, #tpu.memory_space<vmem>>
        %dma_wait3A_99 = tpu.memref_squeeze %dma_wait3A_98 : memref<1x128xi32, #tpu.memory_space<vmem>> -> memref<128xi32, #tpu.memory_space<vmem>>
        %dma_wait3A_100 = arith.constant 0 : i32
        %dma_wait3A_101 = arith.constant 0 : i32
        %dma_wait3A_102 = tpu.memref_slice %arg11[%dma_wait3A_100, %dma_wait3A_101] : memref<10112x64xf32, #tpu.memory_space<vmem_shared>> -> memref<10112x64xf32, #tpu.memory_space<vmem_shared>>
        tpu.wait_indirect_dma semaphore(%run_scoped3A : memref<!tpu.dma_semaphore, #tpu.memory_space<semaphore_mem>>) src(%arg10 : memref<128x64xf32, #tpu.memory_space<vmem>>) dst(%dma_wait3A_102 : memref<10112x64xf32, #tpu.memory_space<vmem_shared>>)
        tpu.yield
      }) : () -> ()
      %add3A_84 = arith.constant 2 : i32
      %add3A_85 = arith.addi %add3A_73, %add3A_84 : i32
      %lt3A_86 = arith.constant 158 : i32
      %lt3A_87 = arith.cmpi slt, %add3A_85, %lt3A_86 : i32
      %convert_element_type3A_88 = arith.extui %lt3A_87 : i1 to i32
      %cond3A_89 = arith.constant 0 : i32
      %cond3A_90 = arith.cmpi ne, %convert_element_type3A_88, %cond3A_89 : i32
      scf.if %cond3A_90 {
        %add3A_91 = arith.constant 2 : i32
        %add3A_92 = arith.addi %add3A_73, %add3A_91 : i32
        %dma_start3A_93 = arith.constant 0 : i32
        %dma_start3A_94 = tpu.memref_slice %arg7[%add3A_92, %dma_start3A_93] : memref<158x128xi32, #tpu.memory_space<vmem>> -> memref<1x128xi32, #tpu.memory_space<vmem>>
        %dma_start3A_95 = tpu.memref_squeeze %dma_start3A_94 : memref<1x128xi32, #tpu.memory_space<vmem>> -> memref<128xi32, #tpu.memory_space<vmem>>
        %dma_start3A_96 = arith.constant 0 : i32
        %dma_start3A_97 = arith.constant 0 : i32
        %dma_start3A_98 = tpu.memref_slice %arg2[%arg0, %dma_start3A_96, %dma_start3A_97] : memref<2x10000x64xf32, #tpu.memory_space<hbm>> -> memref<1x10000x64xf32, #tpu.memory_space<hbm>>
        %dma_start3A_99 = tpu.memref_squeeze %dma_start3A_98 : memref<1x10000x64xf32, #tpu.memory_space<hbm>> -> memref<10000x64xf32, #tpu.memory_space<hbm>>
        %dma_start3A_100 = arith.constant 0 : i32
        %dma_start3A_101 = arith.constant 0 : i32
        %dma_start3A_102 = tpu.memref_slice %dma_start3A_99[%dma_start3A_100, %dma_start3A_101] : memref<10000x64xf32, #tpu.memory_space<hbm>> -> memref<10000x64xf32, #tpu.memory_space<hbm>>
        tpu.enqueue_indirect_dma source(%dma_start3A_102 : memref<10000x64xf32, #tpu.memory_space<hbm>>) target(%arg10 : memref<128x64xf32, #tpu.memory_space<vmem>>) offsets(%dma_start3A_95 : memref<128xi32, #tpu.memory_space<vmem>>) semaphore(%arg13 : memref<!tpu.dma_semaphore, #tpu.memory_space<semaphore_mem>>)
      } else {
      }
    }
    %scan3A_43 = arith.constant 79 : i32
    %barrier3A_44 = arith.constant 0 : index
    tpu.barrier barrier_id(%barrier3A_44)
    %lt3A = arith.constant 15 : i32
    %lt3A_45 = arith.cmpi slt, %arg1, %lt3A : i32
    %convert_element_type3A = arith.extui %lt3A_45 : i1 to i32
    %cond3A = arith.constant 0 : i32
    %cond3A_46 = arith.cmpi ne, %convert_element_type3A, %cond3A : i32
    scf.if %cond3A_46 {
      %mul3A_51 = arith.constant 632 : i32
      %mul3A_52 = arith.muli %arg1, %mul3A_51 : i32
      %mul3A_53 = arith.constant 632 : i32
      %mul3A_54 = arith.muli %arg1, %mul3A_53 : i32
      %mul3A_55 = arith.constant 64 : i32
      %mul3A_56 = arith.muli %arg0, %mul3A_55 : i32
      "tpu.region"() ({
        %run_scoped3A = tpu.sem_alloc : memref<!tpu.dma_semaphore, #tpu.memory_space<semaphore_mem>>
        %dma_start3A_57 = tpu.memref_slice %arg6[%mul3A_54, %mul3A_56] : memref<10000x128xf32, #tpu.memory_space<hbm>> -> memref<632x64xf32, #tpu.memory_space<hbm>>
        %dma_start3A_58 = arith.constant 0 : i32
        %dma_start3A_59 = tpu.memref_slice %arg11[%mul3A_52, %dma_start3A_58] : memref<10112x64xf32, #tpu.memory_space<vmem_shared>> -> memref<632x64xf32, #tpu.memory_space<vmem_shared>>
        tpu.enqueue_dma source(%dma_start3A_59 : memref<632x64xf32, #tpu.memory_space<vmem_shared>>) target(%dma_start3A_57 : memref<632x64xf32, #tpu.memory_space<hbm>>) target_semaphore(%run_scoped3A : memref<!tpu.dma_semaphore, #tpu.memory_space<semaphore_mem>>)
        %dma_wait3A = tpu.memref_slice %arg6[%mul3A_54, %mul3A_56] : memref<10000x128xf32, #tpu.memory_space<hbm>> -> memref<632x64xf32, #tpu.memory_space<hbm>>
        %dma_wait3A_60 = arith.constant 0 : i32
        %dma_wait3A_61 = tpu.memref_slice %arg11[%mul3A_52, %dma_wait3A_60] : memref<10112x64xf32, #tpu.memory_space<vmem_shared>> -> memref<632x64xf32, #tpu.memory_space<vmem_shared>>
        tpu.wait_dma2 semaphore(%run_scoped3A : memref<!tpu.dma_semaphore, #tpu.memory_space<semaphore_mem>>) src(%dma_wait3A_61 : memref<632x64xf32, #tpu.memory_space<vmem_shared>>) dst(%dma_wait3A : memref<632x64xf32, #tpu.memory_space<hbm>>)
        tpu.yield
      }) : () -> ()
    } else {
    }
    %eq3A = arith.constant 15 : i32
    %eq3A_47 = arith.cmpi eq, %arg1, %eq3A : i32
    %convert_element_type3A_48 = arith.extui %eq3A_47 : i1 to i32
    %cond3A_49 = arith.constant 0 : i32
    %cond3A_50 = arith.cmpi ne, %convert_element_type3A_48, %cond3A_49 : i32
    scf.if %cond3A_50 {
      %mul3A_51 = arith.constant 64 : i32
      %mul3A_52 = arith.muli %arg0, %mul3A_51 : i32
      "tpu.region"() ({
        %run_scoped3A = tpu.sem_alloc : memref<!tpu.dma_semaphore, #tpu.memory_space<semaphore_mem>>
        %dma_start3A_53 = arith.constant 9480 : i32
        %dma_start3A_54 = tpu.memref_slice %arg6[%dma_start3A_53, %mul3A_52] : memref<10000x128xf32, #tpu.memory_space<hbm>> -> memref<520x64xf32, #tpu.memory_space<hbm>>
        %dma_start3A_55 = arith.constant 9480 : i32
        %dma_start3A_56 = arith.constant 0 : i32
        %dma_start3A_57 = tpu.memref_slice %arg11[%dma_start3A_55, %dma_start3A_56] : memref<10112x64xf32, #tpu.memory_space<vmem_shared>> -> memref<520x64xf32, #tpu.memory_space<vmem_shared>>
        tpu.enqueue_dma source(%dma_start3A_57 : memref<520x64xf32, #tpu.memory_space<vmem_shared>>) target(%dma_start3A_54 : memref<520x64xf32, #tpu.memory_space<hbm>>) target_semaphore(%run_scoped3A : memref<!tpu.dma_semaphore, #tpu.memory_space<semaphore_mem>>)
        %dma_wait3A = arith.constant 9480 : i32
        %dma_wait3A_58 = tpu.memref_slice %arg6[%dma_wait3A, %mul3A_52] : memref<10000x128xf32, #tpu.memory_space<hbm>> -> memref<520x64xf32, #tpu.memory_space<hbm>>
        %dma_wait3A_59 = arith.constant 9480 : i32
        %dma_wait3A_60 = arith.constant 0 : i32
        %dma_wait3A_61 = tpu.memref_slice %arg11[%dma_wait3A_59, %dma_wait3A_60] : memref<10112x64xf32, #tpu.memory_space<vmem_shared>> -> memref<520x64xf32, #tpu.memory_space<vmem_shared>>
        tpu.wait_dma2 semaphore(%run_scoped3A : memref<!tpu.dma_semaphore, #tpu.memory_space<semaphore_mem>>) src(%dma_wait3A_61 : memref<520x64xf32, #tpu.memory_space<vmem_shared>>) dst(%dma_wait3A_58 : memref<520x64xf32, #tpu.memory_space<hbm>>)
        tpu.yield
      }) : () -> ()
    } else {
    }
    return
  }
}

#map = affine_map<(d0, d1) -> (0, 0, 0)>
#map1 = affine_map<(d0, d1) -> (0, 0)>
module attributes {stable_mosaic.version = 14 : i64} {
  func.func @body(%arg0: i32, %arg1: i32, %arg2: memref<2x10000x64xf32, #tpu.memory_space<hbm>>, %arg3: memref<16x158x128xi32, #tpu.memory_space<hbm>>, %arg4: memref<16x158x128xi32, #tpu.memory_space<hbm>>, %arg5: memref<128x64xf32, #tpu.memory_space<hbm>>, %arg6: memref<128x16xf32, #tpu.memory_space<hbm>>, %arg7: memref<128x16xf32, #tpu.memory_space<hbm>>, %arg8: memref<10000x128xf32, #tpu.memory_space<hbm>>, %arg9: memref<2x10000x16xf32, #tpu.memory_space<hbm>>, %arg10: memref<158x128xi32, #tpu.memory_space<vmem>>, %arg11: memref<158x128xi32, #tpu.memory_space<vmem>>, %arg12: memref<128x64xf32, #tpu.memory_space<vmem>>, %arg13: memref<128x64xf32, #tpu.memory_space<vmem>>, %arg14: memref<10112x64xf32, #tpu.memory_space<vmem_shared>>, %arg15: memref<!tpu.dma_semaphore, #tpu.memory_space<semaphore_mem>>, %arg16: memref<!tpu.dma_semaphore, #tpu.memory_space<semaphore_mem>>, %arg17: memref<128x16xf32, #tpu.memory_space<vmem>>, %arg18: memref<10112x16xf32, #tpu.memory_space<vmem_shared>>, %arg19: memref<!tpu.dma_semaphore, #tpu.memory_space<semaphore_mem>>) attributes {dimension_semantics = [#tpu.dimension_semantics<core_parallel>, #tpu.dimension_semantics<subcore_parallel>], iteration_bounds = array<i64: 2, 16>, scalar_prefetch = 0 : i64, scratch_operands = 10 : i64, tpu.core_type = #tpu.core_type<sc_vector_subcore>, window_params = [{transform_indices = #map}, {transform_indices = #map}, {transform_indices = #map}, {transform_indices = #map1}, {transform_indices = #map1}, {transform_indices = #map1}, {transform_indices = #map1}, {transform_indices = #map}]} {
    "tpu.region"() ({
      %run_scoped3A = tpu.sem_alloc : memref<!tpu.dma_semaphore, #tpu.memory_space<semaphore_mem>>
      %dma_start3A_87 = arith.constant 0 : i32
      %dma_start3A_88 = arith.constant 0 : i32
      %dma_start3A_89 = tpu.memref_slice %arg3[%arg1, %dma_start3A_87, %dma_start3A_88] : memref<16x158x128xi32, #tpu.memory_space<hbm>> -> memref<1x158x128xi32, #tpu.memory_space<hbm>>
      %dma_start3A_90 = tpu.memref_squeeze %dma_start3A_89 : memref<1x158x128xi32, #tpu.memory_space<hbm>> -> memref<158x128xi32, #tpu.memory_space<hbm>>
      %dma_start3A_91 = arith.constant 0 : i32
      %dma_start3A_92 = arith.constant 0 : i32
      %dma_start3A_93 = tpu.memref_slice %arg3[%arg1, %dma_start3A_91, %dma_start3A_92] : memref<16x158x128xi32, #tpu.memory_space<hbm>> -> memref<1x158x128xi32, #tpu.memory_space<hbm>>
      %dma_start3A_94 = tpu.memref_squeeze %dma_start3A_93 : memref<1x158x128xi32, #tpu.memory_space<hbm>> -> memref<158x128xi32, #tpu.memory_space<hbm>>
      tpu.enqueue_dma source(%dma_start3A_94 : memref<158x128xi32, #tpu.memory_space<hbm>>) target(%arg10 : memref<158x128xi32, #tpu.memory_space<vmem>>) target_semaphore(%run_scoped3A : memref<!tpu.dma_semaphore, #tpu.memory_space<semaphore_mem>>)
      %dma_wait3A = arith.constant 0 : i32
      %dma_wait3A_95 = arith.constant 0 : i32
      %dma_wait3A_96 = tpu.memref_slice %arg3[%arg1, %dma_wait3A, %dma_wait3A_95] : memref<16x158x128xi32, #tpu.memory_space<hbm>> -> memref<1x158x128xi32, #tpu.memory_space<hbm>>
      %dma_wait3A_97 = tpu.memref_squeeze %dma_wait3A_96 : memref<1x158x128xi32, #tpu.memory_space<hbm>> -> memref<158x128xi32, #tpu.memory_space<hbm>>
      %dma_wait3A_98 = arith.constant 0 : i32
      %dma_wait3A_99 = arith.constant 0 : i32
      %dma_wait3A_100 = tpu.memref_slice %arg3[%arg1, %dma_wait3A_98, %dma_wait3A_99] : memref<16x158x128xi32, #tpu.memory_space<hbm>> -> memref<1x158x128xi32, #tpu.memory_space<hbm>>
      %dma_wait3A_101 = tpu.memref_squeeze %dma_wait3A_100 : memref<1x158x128xi32, #tpu.memory_space<hbm>> -> memref<158x128xi32, #tpu.memory_space<hbm>>
      tpu.wait_dma2 semaphore(%run_scoped3A : memref<!tpu.dma_semaphore, #tpu.memory_space<semaphore_mem>>) src(%dma_wait3A_101 : memref<158x128xi32, #tpu.memory_space<hbm>>) dst(%arg10 : memref<158x128xi32, #tpu.memory_space<vmem>>)
      tpu.yield
    }) : () -> ()
    "tpu.region"() ({
      %run_scoped3A = tpu.sem_alloc : memref<!tpu.dma_semaphore, #tpu.memory_space<semaphore_mem>>
      %dma_start3A_87 = arith.constant 0 : i32
      %dma_start3A_88 = arith.constant 0 : i32
      %dma_start3A_89 = tpu.memref_slice %arg4[%arg1, %dma_start3A_87, %dma_start3A_88] : memref<16x158x128xi32, #tpu.memory_space<hbm>> -> memref<1x158x128xi32, #tpu.memory_space<hbm>>
      %dma_start3A_90 = tpu.memref_squeeze %dma_start3A_89 : memref<1x158x128xi32, #tpu.memory_space<hbm>> -> memref<158x128xi32, #tpu.memory_space<hbm>>
      %dma_start3A_91 = arith.constant 0 : i32
      %dma_start3A_92 = arith.constant 0 : i32
      %dma_start3A_93 = tpu.memref_slice %arg4[%arg1, %dma_start3A_91, %dma_start3A_92] : memref<16x158x128xi32, #tpu.memory_space<hbm>> -> memref<1x158x128xi32, #tpu.memory_space<hbm>>
      %dma_start3A_94 = tpu.memref_squeeze %dma_start3A_93 : memref<1x158x128xi32, #tpu.memory_space<hbm>> -> memref<158x128xi32, #tpu.memory_space<hbm>>
      tpu.enqueue_dma source(%dma_start3A_94 : memref<158x128xi32, #tpu.memory_space<hbm>>) target(%arg11 : memref<158x128xi32, #tpu.memory_space<vmem>>) target_semaphore(%run_scoped3A : memref<!tpu.dma_semaphore, #tpu.memory_space<semaphore_mem>>)
      %dma_wait3A = arith.constant 0 : i32
      %dma_wait3A_95 = arith.constant 0 : i32
      %dma_wait3A_96 = tpu.memref_slice %arg4[%arg1, %dma_wait3A, %dma_wait3A_95] : memref<16x158x128xi32, #tpu.memory_space<hbm>> -> memref<1x158x128xi32, #tpu.memory_space<hbm>>
      %dma_wait3A_97 = tpu.memref_squeeze %dma_wait3A_96 : memref<1x158x128xi32, #tpu.memory_space<hbm>> -> memref<158x128xi32, #tpu.memory_space<hbm>>
      %dma_wait3A_98 = arith.constant 0 : i32
      %dma_wait3A_99 = arith.constant 0 : i32
      %dma_wait3A_100 = tpu.memref_slice %arg4[%arg1, %dma_wait3A_98, %dma_wait3A_99] : memref<16x158x128xi32, #tpu.memory_space<hbm>> -> memref<1x158x128xi32, #tpu.memory_space<hbm>>
      %dma_wait3A_101 = tpu.memref_squeeze %dma_wait3A_100 : memref<1x158x128xi32, #tpu.memory_space<hbm>> -> memref<158x128xi32, #tpu.memory_space<hbm>>
      tpu.wait_dma2 semaphore(%run_scoped3A : memref<!tpu.dma_semaphore, #tpu.memory_space<semaphore_mem>>) src(%dma_wait3A_101 : memref<158x128xi32, #tpu.memory_space<hbm>>) dst(%arg11 : memref<158x128xi32, #tpu.memory_space<vmem>>)
      tpu.yield
    }) : () -> ()
    %mul3A = arith.constant 632 : i32
    %mul3A_0 = arith.muli %arg1, %mul3A : i32
    %add3A = arith.constant 0 : i32
    %add3A_1 = arith.addi %mul3A_0, %add3A : i32
    "tpu.region"() ({
      %run_scoped3A = tpu.sem_alloc : memref<!tpu.dma_semaphore, #tpu.memory_space<semaphore_mem>>
      %dma_start3A_87 = arith.constant 0 : i32
      %dma_start3A_88 = tpu.memref_slice %arg14[%add3A_1, %dma_start3A_87] : memref<10112x64xf32, #tpu.memory_space<vmem_shared>> -> memref<128x64xf32, #tpu.memory_space<vmem_shared>>
      %dma_start3A_89 = arith.constant 0 : i32
      %dma_start3A_90 = arith.constant 0 : i32
      %dma_start3A_91 = tpu.memref_slice %arg5[%dma_start3A_89, %dma_start3A_90] : memref<128x64xf32, #tpu.memory_space<hbm>> -> memref<128x64xf32, #tpu.memory_space<hbm>>
      tpu.enqueue_dma source(%dma_start3A_91 : memref<128x64xf32, #tpu.memory_space<hbm>>) target(%dma_start3A_88 : memref<128x64xf32, #tpu.memory_space<vmem_shared>>) target_semaphore(%run_scoped3A : memref<!tpu.dma_semaphore, #tpu.memory_space<semaphore_mem>>)
      %dma_wait3A = arith.constant 0 : i32
      %dma_wait3A_92 = tpu.memref_slice %arg14[%add3A_1, %dma_wait3A] : memref<10112x64xf32, #tpu.memory_space<vmem_shared>> -> memref<128x64xf32, #tpu.memory_space<vmem_shared>>
      %dma_wait3A_93 = arith.constant 0 : i32
      %dma_wait3A_94 = arith.constant 0 : i32
      %dma_wait3A_95 = tpu.memref_slice %arg5[%dma_wait3A_93, %dma_wait3A_94] : memref<128x64xf32, #tpu.memory_space<hbm>> -> memref<128x64xf32, #tpu.memory_space<hbm>>
      tpu.wait_dma2 semaphore(%run_scoped3A : memref<!tpu.dma_semaphore, #tpu.memory_space<semaphore_mem>>) src(%dma_wait3A_95 : memref<128x64xf32, #tpu.memory_space<hbm>>) dst(%dma_wait3A_92 : memref<128x64xf32, #tpu.memory_space<vmem_shared>>)
      tpu.yield
    }) : () -> ()
    %mul3A_2 = arith.constant 632 : i32
    %mul3A_3 = arith.muli %arg1, %mul3A_2 : i32
    %add3A_4 = arith.constant 128 : i32
    %add3A_5 = arith.addi %mul3A_3, %add3A_4 : i32
    "tpu.region"() ({
      %run_scoped3A = tpu.sem_alloc : memref<!tpu.dma_semaphore, #tpu.memory_space<semaphore_mem>>
      %dma_start3A_87 = arith.constant 0 : i32
      %dma_start3A_88 = tpu.memref_slice %arg14[%add3A_5, %dma_start3A_87] : memref<10112x64xf32, #tpu.memory_space<vmem_shared>> -> memref<128x64xf32, #tpu.memory_space<vmem_shared>>
      %dma_start3A_89 = arith.constant 0 : i32
      %dma_start3A_90 = arith.constant 0 : i32
      %dma_start3A_91 = tpu.memref_slice %arg5[%dma_start3A_89, %dma_start3A_90] : memref<128x64xf32, #tpu.memory_space<hbm>> -> memref<128x64xf32, #tpu.memory_space<hbm>>
      tpu.enqueue_dma source(%dma_start3A_91 : memref<128x64xf32, #tpu.memory_space<hbm>>) target(%dma_start3A_88 : memref<128x64xf32, #tpu.memory_space<vmem_shared>>) target_semaphore(%run_scoped3A : memref<!tpu.dma_semaphore, #tpu.memory_space<semaphore_mem>>)
      %dma_wait3A = arith.constant 0 : i32
      %dma_wait3A_92 = tpu.memref_slice %arg14[%add3A_5, %dma_wait3A] : memref<10112x64xf32, #tpu.memory_space<vmem_shared>> -> memref<128x64xf32, #tpu.memory_space<vmem_shared>>
      %dma_wait3A_93 = arith.constant 0 : i32
      %dma_wait3A_94 = arith.constant 0 : i32
      %dma_wait3A_95 = tpu.memref_slice %arg5[%dma_wait3A_93, %dma_wait3A_94] : memref<128x64xf32, #tpu.memory_space<hbm>> -> memref<128x64xf32, #tpu.memory_space<hbm>>
      tpu.wait_dma2 semaphore(%run_scoped3A : memref<!tpu.dma_semaphore, #tpu.memory_space<semaphore_mem>>) src(%dma_wait3A_95 : memref<128x64xf32, #tpu.memory_space<hbm>>) dst(%dma_wait3A_92 : memref<128x64xf32, #tpu.memory_space<vmem_shared>>)
      tpu.yield
    }) : () -> ()
    %mul3A_6 = arith.constant 632 : i32
    %mul3A_7 = arith.muli %arg1, %mul3A_6 : i32
    %add3A_8 = arith.constant 256 : i32
    %add3A_9 = arith.addi %mul3A_7, %add3A_8 : i32
    "tpu.region"() ({
      %run_scoped3A = tpu.sem_alloc : memref<!tpu.dma_semaphore, #tpu.memory_space<semaphore_mem>>
      %dma_start3A_87 = arith.constant 0 : i32
      %dma_start3A_88 = tpu.memref_slice %arg14[%add3A_9, %dma_start3A_87] : memref<10112x64xf32, #tpu.memory_space<vmem_shared>> -> memref<128x64xf32, #tpu.memory_space<vmem_shared>>
      %dma_start3A_89 = arith.constant 0 : i32
      %dma_start3A_90 = arith.constant 0 : i32
      %dma_start3A_91 = tpu.memref_slice %arg5[%dma_start3A_89, %dma_start3A_90] : memref<128x64xf32, #tpu.memory_space<hbm>> -> memref<128x64xf32, #tpu.memory_space<hbm>>
      tpu.enqueue_dma source(%dma_start3A_91 : memref<128x64xf32, #tpu.memory_space<hbm>>) target(%dma_start3A_88 : memref<128x64xf32, #tpu.memory_space<vmem_shared>>) target_semaphore(%run_scoped3A : memref<!tpu.dma_semaphore, #tpu.memory_space<semaphore_mem>>)
      %dma_wait3A = arith.constant 0 : i32
      %dma_wait3A_92 = tpu.memref_slice %arg14[%add3A_9, %dma_wait3A] : memref<10112x64xf32, #tpu.memory_space<vmem_shared>> -> memref<128x64xf32, #tpu.memory_space<vmem_shared>>
      %dma_wait3A_93 = arith.constant 0 : i32
      %dma_wait3A_94 = arith.constant 0 : i32
      %dma_wait3A_95 = tpu.memref_slice %arg5[%dma_wait3A_93, %dma_wait3A_94] : memref<128x64xf32, #tpu.memory_space<hbm>> -> memref<128x64xf32, #tpu.memory_space<hbm>>
      tpu.wait_dma2 semaphore(%run_scoped3A : memref<!tpu.dma_semaphore, #tpu.memory_space<semaphore_mem>>) src(%dma_wait3A_95 : memref<128x64xf32, #tpu.memory_space<hbm>>) dst(%dma_wait3A_92 : memref<128x64xf32, #tpu.memory_space<vmem_shared>>)
      tpu.yield
    }) : () -> ()
    %mul3A_10 = arith.constant 632 : i32
    %mul3A_11 = arith.muli %arg1, %mul3A_10 : i32
    %add3A_12 = arith.constant 384 : i32
    %add3A_13 = arith.addi %mul3A_11, %add3A_12 : i32
    "tpu.region"() ({
      %run_scoped3A = tpu.sem_alloc : memref<!tpu.dma_semaphore, #tpu.memory_space<semaphore_mem>>
      %dma_start3A_87 = arith.constant 0 : i32
      %dma_start3A_88 = tpu.memref_slice %arg14[%add3A_13, %dma_start3A_87] : memref<10112x64xf32, #tpu.memory_space<vmem_shared>> -> memref<128x64xf32, #tpu.memory_space<vmem_shared>>
      %dma_start3A_89 = arith.constant 0 : i32
      %dma_start3A_90 = arith.constant 0 : i32
      %dma_start3A_91 = tpu.memref_slice %arg5[%dma_start3A_89, %dma_start3A_90] : memref<128x64xf32, #tpu.memory_space<hbm>> -> memref<128x64xf32, #tpu.memory_space<hbm>>
      tpu.enqueue_dma source(%dma_start3A_91 : memref<128x64xf32, #tpu.memory_space<hbm>>) target(%dma_start3A_88 : memref<128x64xf32, #tpu.memory_space<vmem_shared>>) target_semaphore(%run_scoped3A : memref<!tpu.dma_semaphore, #tpu.memory_space<semaphore_mem>>)
      %dma_wait3A = arith.constant 0 : i32
      %dma_wait3A_92 = tpu.memref_slice %arg14[%add3A_13, %dma_wait3A] : memref<10112x64xf32, #tpu.memory_space<vmem_shared>> -> memref<128x64xf32, #tpu.memory_space<vmem_shared>>
      %dma_wait3A_93 = arith.constant 0 : i32
      %dma_wait3A_94 = arith.constant 0 : i32
      %dma_wait3A_95 = tpu.memref_slice %arg5[%dma_wait3A_93, %dma_wait3A_94] : memref<128x64xf32, #tpu.memory_space<hbm>> -> memref<128x64xf32, #tpu.memory_space<hbm>>
      tpu.wait_dma2 semaphore(%run_scoped3A : memref<!tpu.dma_semaphore, #tpu.memory_space<semaphore_mem>>) src(%dma_wait3A_95 : memref<128x64xf32, #tpu.memory_space<hbm>>) dst(%dma_wait3A_92 : memref<128x64xf32, #tpu.memory_space<vmem_shared>>)
      tpu.yield
    }) : () -> ()
    %mul3A_14 = arith.constant 632 : i32
    %mul3A_15 = arith.muli %arg1, %mul3A_14 : i32
    %add3A_16 = arith.constant 512 : i32
    %add3A_17 = arith.addi %mul3A_15, %add3A_16 : i32
    "tpu.region"() ({
      %run_scoped3A = tpu.sem_alloc : memref<!tpu.dma_semaphore, #tpu.memory_space<semaphore_mem>>
      %dma_start3A_87 = arith.constant 0 : i32
      %dma_start3A_88 = tpu.memref_slice %arg14[%add3A_17, %dma_start3A_87] : memref<10112x64xf32, #tpu.memory_space<vmem_shared>> -> memref<120x64xf32, #tpu.memory_space<vmem_shared>>
      %dma_start3A_89 = arith.constant 0 : i32
      %dma_start3A_90 = arith.constant 0 : i32
      %dma_start3A_91 = tpu.memref_slice %arg5[%dma_start3A_89, %dma_start3A_90] : memref<128x64xf32, #tpu.memory_space<hbm>> -> memref<120x64xf32, #tpu.memory_space<hbm>>
      tpu.enqueue_dma source(%dma_start3A_91 : memref<120x64xf32, #tpu.memory_space<hbm>>) target(%dma_start3A_88 : memref<120x64xf32, #tpu.memory_space<vmem_shared>>) target_semaphore(%run_scoped3A : memref<!tpu.dma_semaphore, #tpu.memory_space<semaphore_mem>>)
      %dma_wait3A = arith.constant 0 : i32
      %dma_wait3A_92 = tpu.memref_slice %arg14[%add3A_17, %dma_wait3A] : memref<10112x64xf32, #tpu.memory_space<vmem_shared>> -> memref<120x64xf32, #tpu.memory_space<vmem_shared>>
      %dma_wait3A_93 = arith.constant 0 : i32
      %dma_wait3A_94 = arith.constant 0 : i32
      %dma_wait3A_95 = tpu.memref_slice %arg5[%dma_wait3A_93, %dma_wait3A_94] : memref<128x64xf32, #tpu.memory_space<hbm>> -> memref<120x64xf32, #tpu.memory_space<hbm>>
      tpu.wait_dma2 semaphore(%run_scoped3A : memref<!tpu.dma_semaphore, #tpu.memory_space<semaphore_mem>>) src(%dma_wait3A_95 : memref<120x64xf32, #tpu.memory_space<hbm>>) dst(%dma_wait3A_92 : memref<120x64xf32, #tpu.memory_space<vmem_shared>>)
      tpu.yield
    }) : () -> ()
    "tpu.region"() ({
      %run_scoped3A = tpu.sem_alloc : memref<!tpu.dma_semaphore, #tpu.memory_space<semaphore_mem>>
      tpu.enqueue_dma source(%arg6 : memref<128x16xf32, #tpu.memory_space<hbm>>) target(%arg17 : memref<128x16xf32, #tpu.memory_space<vmem>>) target_semaphore(%run_scoped3A : memref<!tpu.dma_semaphore, #tpu.memory_space<semaphore_mem>>)
      tpu.wait_dma2 semaphore(%run_scoped3A : memref<!tpu.dma_semaphore, #tpu.memory_space<semaphore_mem>>) src(%arg6 : memref<128x16xf32, #tpu.memory_space<hbm>>) dst(%arg17 : memref<128x16xf32, #tpu.memory_space<vmem>>)
      tpu.yield
    }) : () -> ()
    %mul3A_18 = arith.constant 632 : i32
    %mul3A_19 = arith.muli %arg1, %mul3A_18 : i32
    %add3A_20 = arith.constant 0 : i32
    %add3A_21 = arith.addi %mul3A_19, %add3A_20 : i32
    "tpu.region"() ({
      %run_scoped3A = tpu.sem_alloc : memref<!tpu.dma_semaphore, #tpu.memory_space<semaphore_mem>>
      %dma_start3A_87 = arith.constant 0 : i32
      %dma_start3A_88 = tpu.memref_slice %arg18[%add3A_21, %dma_start3A_87] : memref<10112x16xf32, #tpu.memory_space<vmem_shared>> -> memref<128x16xf32, #tpu.memory_space<vmem_shared>>
      %dma_start3A_89 = arith.constant 0 : i32
      %dma_start3A_90 = arith.constant 0 : i32
      %dma_start3A_91 = tpu.memref_slice %arg7[%dma_start3A_89, %dma_start3A_90] : memref<128x16xf32, #tpu.memory_space<hbm>> -> memref<128x16xf32, #tpu.memory_space<hbm>>
      tpu.enqueue_dma source(%dma_start3A_91 : memref<128x16xf32, #tpu.memory_space<hbm>>) target(%dma_start3A_88 : memref<128x16xf32, #tpu.memory_space<vmem_shared>>) target_semaphore(%run_scoped3A : memref<!tpu.dma_semaphore, #tpu.memory_space<semaphore_mem>>)
      %dma_wait3A = arith.constant 0 : i32
      %dma_wait3A_92 = tpu.memref_slice %arg18[%add3A_21, %dma_wait3A] : memref<10112x16xf32, #tpu.memory_space<vmem_shared>> -> memref<128x16xf32, #tpu.memory_space<vmem_shared>>
      %dma_wait3A_93 = arith.constant 0 : i32
      %dma_wait3A_94 = arith.constant 0 : i32
      %dma_wait3A_95 = tpu.memref_slice %arg7[%dma_wait3A_93, %dma_wait3A_94] : memref<128x16xf32, #tpu.memory_space<hbm>> -> memref<128x16xf32, #tpu.memory_space<hbm>>
      tpu.wait_dma2 semaphore(%run_scoped3A : memref<!tpu.dma_semaphore, #tpu.memory_space<semaphore_mem>>) src(%dma_wait3A_95 : memref<128x16xf32, #tpu.memory_space<hbm>>) dst(%dma_wait3A_92 : memref<128x16xf32, #tpu.memory_space<vmem_shared>>)
      tpu.yield
    }) : () -> ()
    %mul3A_22 = arith.constant 632 : i32
    %mul3A_23 = arith.muli %arg1, %mul3A_22 : i32
    %add3A_24 = arith.constant 128 : i32
    %add3A_25 = arith.addi %mul3A_23, %add3A_24 : i32
    "tpu.region"() ({
      %run_scoped3A = tpu.sem_alloc : memref<!tpu.dma_semaphore, #tpu.memory_space<semaphore_mem>>
      %dma_start3A_87 = arith.constant 0 : i32
      %dma_start3A_88 = tpu.memref_slice %arg18[%add3A_25, %dma_start3A_87] : memref<10112x16xf32, #tpu.memory_space<vmem_shared>> -> memref<128x16xf32, #tpu.memory_space<vmem_shared>>
      %dma_start3A_89 = arith.constant 0 : i32
      %dma_start3A_90 = arith.constant 0 : i32
      %dma_start3A_91 = tpu.memref_slice %arg7[%dma_start3A_89, %dma_start3A_90] : memref<128x16xf32, #tpu.memory_space<hbm>> -> memref<128x16xf32, #tpu.memory_space<hbm>>
      tpu.enqueue_dma source(%dma_start3A_91 : memref<128x16xf32, #tpu.memory_space<hbm>>) target(%dma_start3A_88 : memref<128x16xf32, #tpu.memory_space<vmem_shared>>) target_semaphore(%run_scoped3A : memref<!tpu.dma_semaphore, #tpu.memory_space<semaphore_mem>>)
      %dma_wait3A = arith.constant 0 : i32
      %dma_wait3A_92 = tpu.memref_slice %arg18[%add3A_25, %dma_wait3A] : memref<10112x16xf32, #tpu.memory_space<vmem_shared>> -> memref<128x16xf32, #tpu.memory_space<vmem_shared>>
      %dma_wait3A_93 = arith.constant 0 : i32
      %dma_wait3A_94 = arith.constant 0 : i32
      %dma_wait3A_95 = tpu.memref_slice %arg7[%dma_wait3A_93, %dma_wait3A_94] : memref<128x16xf32, #tpu.memory_space<hbm>> -> memref<128x16xf32, #tpu.memory_space<hbm>>
      tpu.wait_dma2 semaphore(%run_scoped3A : memref<!tpu.dma_semaphore, #tpu.memory_space<semaphore_mem>>) src(%dma_wait3A_95 : memref<128x16xf32, #tpu.memory_space<hbm>>) dst(%dma_wait3A_92 : memref<128x16xf32, #tpu.memory_space<vmem_shared>>)
      tpu.yield
    }) : () -> ()
    %mul3A_26 = arith.constant 632 : i32
    %mul3A_27 = arith.muli %arg1, %mul3A_26 : i32
    %add3A_28 = arith.constant 256 : i32
    %add3A_29 = arith.addi %mul3A_27, %add3A_28 : i32
    "tpu.region"() ({
      %run_scoped3A = tpu.sem_alloc : memref<!tpu.dma_semaphore, #tpu.memory_space<semaphore_mem>>
      %dma_start3A_87 = arith.constant 0 : i32
      %dma_start3A_88 = tpu.memref_slice %arg18[%add3A_29, %dma_start3A_87] : memref<10112x16xf32, #tpu.memory_space<vmem_shared>> -> memref<128x16xf32, #tpu.memory_space<vmem_shared>>
      %dma_start3A_89 = arith.constant 0 : i32
      %dma_start3A_90 = arith.constant 0 : i32
      %dma_start3A_91 = tpu.memref_slice %arg7[%dma_start3A_89, %dma_start3A_90] : memref<128x16xf32, #tpu.memory_space<hbm>> -> memref<128x16xf32, #tpu.memory_space<hbm>>
      tpu.enqueue_dma source(%dma_start3A_91 : memref<128x16xf32, #tpu.memory_space<hbm>>) target(%dma_start3A_88 : memref<128x16xf32, #tpu.memory_space<vmem_shared>>) target_semaphore(%run_scoped3A : memref<!tpu.dma_semaphore, #tpu.memory_space<semaphore_mem>>)
      %dma_wait3A = arith.constant 0 : i32
      %dma_wait3A_92 = tpu.memref_slice %arg18[%add3A_29, %dma_wait3A] : memref<10112x16xf32, #tpu.memory_space<vmem_shared>> -> memref<128x16xf32, #tpu.memory_space<vmem_shared>>
      %dma_wait3A_93 = arith.constant 0 : i32
      %dma_wait3A_94 = arith.constant 0 : i32
      %dma_wait3A_95 = tpu.memref_slice %arg7[%dma_wait3A_93, %dma_wait3A_94] : memref<128x16xf32, #tpu.memory_space<hbm>> -> memref<128x16xf32, #tpu.memory_space<hbm>>
      tpu.wait_dma2 semaphore(%run_scoped3A : memref<!tpu.dma_semaphore, #tpu.memory_space<semaphore_mem>>) src(%dma_wait3A_95 : memref<128x16xf32, #tpu.memory_space<hbm>>) dst(%dma_wait3A_92 : memref<128x16xf32, #tpu.memory_space<vmem_shared>>)
      tpu.yield
    }) : () -> ()
    %mul3A_30 = arith.constant 632 : i32
    %mul3A_31 = arith.muli %arg1, %mul3A_30 : i32
    %add3A_32 = arith.constant 384 : i32
    %add3A_33 = arith.addi %mul3A_31, %add3A_32 : i32
    "tpu.region"() ({
      %run_scoped3A = tpu.sem_alloc : memref<!tpu.dma_semaphore, #tpu.memory_space<semaphore_mem>>
      %dma_start3A_87 = arith.constant 0 : i32
      %dma_start3A_88 = tpu.memref_slice %arg18[%add3A_33, %dma_start3A_87] : memref<10112x16xf32, #tpu.memory_space<vmem_shared>> -> memref<128x16xf32, #tpu.memory_space<vmem_shared>>
      %dma_start3A_89 = arith.constant 0 : i32
      %dma_start3A_90 = arith.constant 0 : i32
      %dma_start3A_91 = tpu.memref_slice %arg7[%dma_start3A_89, %dma_start3A_90] : memref<128x16xf32, #tpu.memory_space<hbm>> -> memref<128x16xf32, #tpu.memory_space<hbm>>
      tpu.enqueue_dma source(%dma_start3A_91 : memref<128x16xf32, #tpu.memory_space<hbm>>) target(%dma_start3A_88 : memref<128x16xf32, #tpu.memory_space<vmem_shared>>) target_semaphore(%run_scoped3A : memref<!tpu.dma_semaphore, #tpu.memory_space<semaphore_mem>>)
      %dma_wait3A = arith.constant 0 : i32
      %dma_wait3A_92 = tpu.memref_slice %arg18[%add3A_33, %dma_wait3A] : memref<10112x16xf32, #tpu.memory_space<vmem_shared>> -> memref<128x16xf32, #tpu.memory_space<vmem_shared>>
      %dma_wait3A_93 = arith.constant 0 : i32
      %dma_wait3A_94 = arith.constant 0 : i32
      %dma_wait3A_95 = tpu.memref_slice %arg7[%dma_wait3A_93, %dma_wait3A_94] : memref<128x16xf32, #tpu.memory_space<hbm>> -> memref<128x16xf32, #tpu.memory_space<hbm>>
      tpu.wait_dma2 semaphore(%run_scoped3A : memref<!tpu.dma_semaphore, #tpu.memory_space<semaphore_mem>>) src(%dma_wait3A_95 : memref<128x16xf32, #tpu.memory_space<hbm>>) dst(%dma_wait3A_92 : memref<128x16xf32, #tpu.memory_space<vmem_shared>>)
      tpu.yield
    }) : () -> ()
    %mul3A_34 = arith.constant 632 : i32
    %mul3A_35 = arith.muli %arg1, %mul3A_34 : i32
    %add3A_36 = arith.constant 512 : i32
    %add3A_37 = arith.addi %mul3A_35, %add3A_36 : i32
    "tpu.region"() ({
      %run_scoped3A = tpu.sem_alloc : memref<!tpu.dma_semaphore, #tpu.memory_space<semaphore_mem>>
      %dma_start3A_87 = arith.constant 0 : i32
      %dma_start3A_88 = tpu.memref_slice %arg18[%add3A_37, %dma_start3A_87] : memref<10112x16xf32, #tpu.memory_space<vmem_shared>> -> memref<120x16xf32, #tpu.memory_space<vmem_shared>>
      %dma_start3A_89 = arith.constant 0 : i32
      %dma_start3A_90 = arith.constant 0 : i32
      %dma_start3A_91 = tpu.memref_slice %arg7[%dma_start3A_89, %dma_start3A_90] : memref<128x16xf32, #tpu.memory_space<hbm>> -> memref<120x16xf32, #tpu.memory_space<hbm>>
      tpu.enqueue_dma source(%dma_start3A_91 : memref<120x16xf32, #tpu.memory_space<hbm>>) target(%dma_start3A_88 : memref<120x16xf32, #tpu.memory_space<vmem_shared>>) target_semaphore(%run_scoped3A : memref<!tpu.dma_semaphore, #tpu.memory_space<semaphore_mem>>)
      %dma_wait3A = arith.constant 0 : i32
      %dma_wait3A_92 = tpu.memref_slice %arg18[%add3A_37, %dma_wait3A] : memref<10112x16xf32, #tpu.memory_space<vmem_shared>> -> memref<120x16xf32, #tpu.memory_space<vmem_shared>>
      %dma_wait3A_93 = arith.constant 0 : i32
      %dma_wait3A_94 = arith.constant 0 : i32
      %dma_wait3A_95 = tpu.memref_slice %arg7[%dma_wait3A_93, %dma_wait3A_94] : memref<128x16xf32, #tpu.memory_space<hbm>> -> memref<120x16xf32, #tpu.memory_space<hbm>>
      tpu.wait_dma2 semaphore(%run_scoped3A : memref<!tpu.dma_semaphore, #tpu.memory_space<semaphore_mem>>) src(%dma_wait3A_95 : memref<120x16xf32, #tpu.memory_space<hbm>>) dst(%dma_wait3A_92 : memref<120x16xf32, #tpu.memory_space<vmem_shared>>)
      tpu.yield
    }) : () -> ()
    %barrier3A = arith.constant 0 : index
    tpu.barrier barrier_id(%barrier3A)
    %dma_start3A = arith.constant 0 : i32
    %dma_start3A_38 = arith.constant 0 : i32
    %dma_start3A_39 = tpu.memref_slice %arg10[%dma_start3A, %dma_start3A_38] : memref<158x128xi32, #tpu.memory_space<vmem>> -> memref<1x128xi32, #tpu.memory_space<vmem>>
    %dma_start3A_40 = tpu.memref_squeeze %dma_start3A_39 : memref<1x128xi32, #tpu.memory_space<vmem>> -> memref<128xi32, #tpu.memory_space<vmem>>
    %dma_start3A_41 = arith.constant 0 : i32
    %dma_start3A_42 = arith.constant 0 : i32
    %dma_start3A_43 = tpu.memref_slice %arg2[%arg0, %dma_start3A_41, %dma_start3A_42] : memref<2x10000x64xf32, #tpu.memory_space<hbm>> -> memref<1x10000x64xf32, #tpu.memory_space<hbm>>
    %dma_start3A_44 = tpu.memref_squeeze %dma_start3A_43 : memref<1x10000x64xf32, #tpu.memory_space<hbm>> -> memref<10000x64xf32, #tpu.memory_space<hbm>>
    %dma_start3A_45 = arith.constant 0 : i32
    %dma_start3A_46 = arith.constant 0 : i32
    %dma_start3A_47 = tpu.memref_slice %dma_start3A_44[%dma_start3A_45, %dma_start3A_46] : memref<10000x64xf32, #tpu.memory_space<hbm>> -> memref<10000x64xf32, #tpu.memory_space<hbm>>
    tpu.enqueue_indirect_dma source(%dma_start3A_47 : memref<10000x64xf32, #tpu.memory_space<hbm>>) target(%arg12 : memref<128x64xf32, #tpu.memory_space<vmem>>) offsets(%dma_start3A_40 : memref<128xi32, #tpu.memory_space<vmem>>) semaphore(%arg15 : memref<!tpu.dma_semaphore, #tpu.memory_space<semaphore_mem>>)
    %dma_start3A_48 = arith.constant 1 : i32
    %dma_start3A_49 = arith.constant 0 : i32
    %dma_start3A_50 = tpu.memref_slice %arg10[%dma_start3A_48, %dma_start3A_49] : memref<158x128xi32, #tpu.memory_space<vmem>> -> memref<1x128xi32, #tpu.memory_space<vmem>>
    %dma_start3A_51 = tpu.memref_squeeze %dma_start3A_50 : memref<1x128xi32, #tpu.memory_space<vmem>> -> memref<128xi32, #tpu.memory_space<vmem>>
    %dma_start3A_52 = arith.constant 0 : i32
    %dma_start3A_53 = arith.constant 0 : i32
    %dma_start3A_54 = tpu.memref_slice %arg2[%arg0, %dma_start3A_52, %dma_start3A_53] : memref<2x10000x64xf32, #tpu.memory_space<hbm>> -> memref<1x10000x64xf32, #tpu.memory_space<hbm>>
    %dma_start3A_55 = tpu.memref_squeeze %dma_start3A_54 : memref<1x10000x64xf32, #tpu.memory_space<hbm>> -> memref<10000x64xf32, #tpu.memory_space<hbm>>
    %dma_start3A_56 = arith.constant 0 : i32
    %dma_start3A_57 = arith.constant 0 : i32
    %dma_start3A_58 = tpu.memref_slice %dma_start3A_55[%dma_start3A_56, %dma_start3A_57] : memref<10000x64xf32, #tpu.memory_space<hbm>> -> memref<10000x64xf32, #tpu.memory_space<hbm>>
    tpu.enqueue_indirect_dma source(%dma_start3A_58 : memref<10000x64xf32, #tpu.memory_space<hbm>>) target(%arg13 : memref<128x64xf32, #tpu.memory_space<vmem>>) offsets(%dma_start3A_51 : memref<128xi32, #tpu.memory_space<vmem>>) semaphore(%arg16 : memref<!tpu.dma_semaphore, #tpu.memory_space<semaphore_mem>>)
    %scan3A = arith.constant 0 : i32
    %scan3A_59 = arith.constant 0 : i32
    %scan3A_60 = arith.constant 79 : i32
    %scan3A_61 = arith.addi %scan3A_59, %scan3A_60 : i32
    %scan3A_62 = arith.constant 1 : i32
    scf.for %scan3A_87 = %scan3A_59 to %scan3A_61 step %scan3A_62  : i32 {
      %mul3A_88 = arith.constant 2 : i32
      %mul3A_89 = arith.muli %mul3A_88, %scan3A_87 : i32
      %add3A_90 = arith.constant 0 : i32
      %add3A_91 = arith.addi %mul3A_89, %add3A_90 : i32
      %dma_wait3A = arith.constant 0 : i32
      %dma_wait3A_92 = tpu.memref_slice %arg10[%add3A_91, %dma_wait3A] : memref<158x128xi32, #tpu.memory_space<vmem>> -> memref<1x128xi32, #tpu.memory_space<vmem>>
      %dma_wait3A_93 = tpu.memref_squeeze %dma_wait3A_92 : memref<1x128xi32, #tpu.memory_space<vmem>> -> memref<128xi32, #tpu.memory_space<vmem>>
      %dma_wait3A_94 = arith.constant 0 : i32
      %dma_wait3A_95 = arith.constant 0 : i32
      %dma_wait3A_96 = tpu.memref_slice %arg2[%arg0, %dma_wait3A_94, %dma_wait3A_95] : memref<2x10000x64xf32, #tpu.memory_space<hbm>> -> memref<1x10000x64xf32, #tpu.memory_space<hbm>>
      %dma_wait3A_97 = tpu.memref_squeeze %dma_wait3A_96 : memref<1x10000x64xf32, #tpu.memory_space<hbm>> -> memref<10000x64xf32, #tpu.memory_space<hbm>>
      %dma_wait3A_98 = arith.constant 0 : i32
      %dma_wait3A_99 = arith.constant 0 : i32
      %dma_wait3A_100 = tpu.memref_slice %dma_wait3A_97[%dma_wait3A_98, %dma_wait3A_99] : memref<10000x64xf32, #tpu.memory_space<hbm>> -> memref<10000x64xf32, #tpu.memory_space<hbm>>
      tpu.wait_indirect_dma semaphore(%arg15 : memref<!tpu.dma_semaphore, #tpu.memory_space<semaphore_mem>>) src(%dma_wait3A_100 : memref<10000x64xf32, #tpu.memory_space<hbm>>) dst(%arg12 : memref<128x64xf32, #tpu.memory_space<vmem>>)
      "tpu.region"() ({
        %run_scoped3A = tpu.sem_alloc : memref<!tpu.dma_semaphore, #tpu.memory_space<semaphore_mem>>
        %dma_start3A_137 = arith.constant 0 : i32
        %dma_start3A_138 = tpu.memref_slice %arg11[%add3A_91, %dma_start3A_137] : memref<158x128xi32, #tpu.memory_space<vmem>> -> memref<1x128xi32, #tpu.memory_space<vmem>>
        %dma_start3A_139 = tpu.memref_squeeze %dma_start3A_138 : memref<1x128xi32, #tpu.memory_space<vmem>> -> memref<128xi32, #tpu.memory_space<vmem>>
        %dma_start3A_140 = arith.constant 0 : i32
        %dma_start3A_141 = arith.constant 0 : i32
        %dma_start3A_142 = tpu.memref_slice %arg14[%dma_start3A_140, %dma_start3A_141] : memref<10112x64xf32, #tpu.memory_space<vmem_shared>> -> memref<10112x64xf32, #tpu.memory_space<vmem_shared>>
        tpu.enqueue_indirect_dma source(%arg12 : memref<128x64xf32, #tpu.memory_space<vmem>>) target(%dma_start3A_142 : memref<10112x64xf32, #tpu.memory_space<vmem_shared>>) offsets(%dma_start3A_139 : memref<128xi32, #tpu.memory_space<vmem>>) semaphore(%run_scoped3A : memref<!tpu.dma_semaphore, #tpu.memory_space<semaphore_mem>>) {add = true}
        %dma_wait3A_143 = arith.constant 0 : i32
        %dma_wait3A_144 = tpu.memref_slice %arg11[%add3A_91, %dma_wait3A_143] : memref<158x128xi32, #tpu.memory_space<vmem>> -> memref<1x128xi32, #tpu.memory_space<vmem>>
        %dma_wait3A_145 = tpu.memref_squeeze %dma_wait3A_144 : memref<1x128xi32, #tpu.memory_space<vmem>> -> memref<128xi32, #tpu.memory_space<vmem>>
        %dma_wait3A_146 = arith.constant 0 : i32
        %dma_wait3A_147 = arith.constant 0 : i32
        %dma_wait3A_148 = tpu.memref_slice %arg14[%dma_wait3A_146, %dma_wait3A_147] : memref<10112x64xf32, #tpu.memory_space<vmem_shared>> -> memref<10112x64xf32, #tpu.memory_space<vmem_shared>>
        tpu.wait_indirect_dma semaphore(%run_scoped3A : memref<!tpu.dma_semaphore, #tpu.memory_space<semaphore_mem>>) src(%arg12 : memref<128x64xf32, #tpu.memory_space<vmem>>) dst(%dma_wait3A_148 : memref<10112x64xf32, #tpu.memory_space<vmem_shared>>)
        tpu.yield
      }) : () -> ()
      %eq3A_101 = arith.constant 0 : i32
      %eq3A_102 = arith.cmpi eq, %arg0, %eq3A_101 : i32
      %convert_element_type3A_103 = arith.extui %eq3A_102 : i1 to i32
      %cond3A_104 = arith.constant 0 : i32
      %cond3A_105 = arith.cmpi ne, %convert_element_type3A_103, %cond3A_104 : i32
      scf.if %cond3A_105 {
        %dma_start3A_137 = arith.constant 0 : i32
        %dma_start3A_138 = tpu.memref_slice %arg11[%add3A_91, %dma_start3A_137] : memref<158x128xi32, #tpu.memory_space<vmem>> -> memref<1x128xi32, #tpu.memory_space<vmem>>
        %dma_start3A_139 = tpu.memref_squeeze %dma_start3A_138 : memref<1x128xi32, #tpu.memory_space<vmem>> -> memref<128xi32, #tpu.memory_space<vmem>>
        %dma_start3A_140 = arith.constant 0 : i32
        %dma_start3A_141 = arith.constant 0 : i32
        %dma_start3A_142 = tpu.memref_slice %arg18[%dma_start3A_140, %dma_start3A_141] : memref<10112x16xf32, #tpu.memory_space<vmem_shared>> -> memref<10112x16xf32, #tpu.memory_space<vmem_shared>>
        tpu.enqueue_indirect_dma source(%arg17 : memref<128x16xf32, #tpu.memory_space<vmem>>) target(%dma_start3A_142 : memref<10112x16xf32, #tpu.memory_space<vmem_shared>>) offsets(%dma_start3A_139 : memref<128xi32, #tpu.memory_space<vmem>>) semaphore(%arg19 : memref<!tpu.dma_semaphore, #tpu.memory_space<semaphore_mem>>) {add = true}
      } else {
      }
      %add3A_106 = arith.constant 2 : i32
      %add3A_107 = arith.addi %add3A_91, %add3A_106 : i32
      %lt3A_108 = arith.constant 158 : i32
      %lt3A_109 = arith.cmpi slt, %add3A_107, %lt3A_108 : i32
      %convert_element_type3A_110 = arith.extui %lt3A_109 : i1 to i32
      %cond3A_111 = arith.constant 0 : i32
      %cond3A_112 = arith.cmpi ne, %convert_element_type3A_110, %cond3A_111 : i32
      scf.if %cond3A_112 {
        %add3A_137 = arith.constant 2 : i32
        %add3A_138 = arith.addi %add3A_91, %add3A_137 : i32
        %dma_start3A_139 = arith.constant 0 : i32
        %dma_start3A_140 = tpu.memref_slice %arg10[%add3A_138, %dma_start3A_139] : memref<158x128xi32, #tpu.memory_space<vmem>> -> memref<1x128xi32, #tpu.memory_space<vmem>>
        %dma_start3A_141 = tpu.memref_squeeze %dma_start3A_140 : memref<1x128xi32, #tpu.memory_space<vmem>> -> memref<128xi32, #tpu.memory_space<vmem>>
        %dma_start3A_142 = arith.constant 0 : i32
        %dma_start3A_143 = arith.constant 0 : i32
        %dma_start3A_144 = tpu.memref_slice %arg2[%arg0, %dma_start3A_142, %dma_start3A_143] : memref<2x10000x64xf32, #tpu.memory_space<hbm>> -> memref<1x10000x64xf32, #tpu.memory_space<hbm>>
        %dma_start3A_145 = tpu.memref_squeeze %dma_start3A_144 : memref<1x10000x64xf32, #tpu.memory_space<hbm>> -> memref<10000x64xf32, #tpu.memory_space<hbm>>
        %dma_start3A_146 = arith.constant 0 : i32
        %dma_start3A_147 = arith.constant 0 : i32
        %dma_start3A_148 = tpu.memref_slice %dma_start3A_145[%dma_start3A_146, %dma_start3A_147] : memref<10000x64xf32, #tpu.memory_space<hbm>> -> memref<10000x64xf32, #tpu.memory_space<hbm>>
        tpu.enqueue_indirect_dma source(%dma_start3A_148 : memref<10000x64xf32, #tpu.memory_space<hbm>>) target(%arg12 : memref<128x64xf32, #tpu.memory_space<vmem>>) offsets(%dma_start3A_141 : memref<128xi32, #tpu.memory_space<vmem>>) semaphore(%arg15 : memref<!tpu.dma_semaphore, #tpu.memory_space<semaphore_mem>>)
      } else {
      }
      %add3A_113 = arith.constant 1 : i32
      %add3A_114 = arith.addi %mul3A_89, %add3A_113 : i32
      %dma_wait3A_115 = arith.constant 0 : i32
      %dma_wait3A_116 = tpu.memref_slice %arg10[%add3A_114, %dma_wait3A_115] : memref<158x128xi32, #tpu.memory_space<vmem>> -> memref<1x128xi32, #tpu.memory_space<vmem>>
      %dma_wait3A_117 = tpu.memref_squeeze %dma_wait3A_116 : memref<1x128xi32, #tpu.memory_space<vmem>> -> memref<128xi32, #tpu.memory_space<vmem>>
      %dma_wait3A_118 = arith.constant 0 : i32
      %dma_wait3A_119 = arith.constant 0 : i32
      %dma_wait3A_120 = tpu.memref_slice %arg2[%arg0, %dma_wait3A_118, %dma_wait3A_119] : memref<2x10000x64xf32, #tpu.memory_space<hbm>> -> memref<1x10000x64xf32, #tpu.memory_space<hbm>>
      %dma_wait3A_121 = tpu.memref_squeeze %dma_wait3A_120 : memref<1x10000x64xf32, #tpu.memory_space<hbm>> -> memref<10000x64xf32, #tpu.memory_space<hbm>>
      %dma_wait3A_122 = arith.constant 0 : i32
      %dma_wait3A_123 = arith.constant 0 : i32
      %dma_wait3A_124 = tpu.memref_slice %dma_wait3A_121[%dma_wait3A_122, %dma_wait3A_123] : memref<10000x64xf32, #tpu.memory_space<hbm>> -> memref<10000x64xf32, #tpu.memory_space<hbm>>
      tpu.wait_indirect_dma semaphore(%arg16 : memref<!tpu.dma_semaphore, #tpu.memory_space<semaphore_mem>>) src(%dma_wait3A_124 : memref<10000x64xf32, #tpu.memory_space<hbm>>) dst(%arg13 : memref<128x64xf32, #tpu.memory_space<vmem>>)
      "tpu.region"() ({
        %run_scoped3A = tpu.sem_alloc : memref<!tpu.dma_semaphore, #tpu.memory_space<semaphore_mem>>
        %dma_start3A_137 = arith.constant 0 : i32
        %dma_start3A_138 = tpu.memref_slice %arg11[%add3A_114, %dma_start3A_137] : memref<158x128xi32, #tpu.memory_space<vmem>> -> memref<1x128xi32, #tpu.memory_space<vmem>>
        %dma_start3A_139 = tpu.memref_squeeze %dma_start3A_138 : memref<1x128xi32, #tpu.memory_space<vmem>> -> memref<128xi32, #tpu.memory_space<vmem>>
        %dma_start3A_140 = arith.constant 0 : i32
        %dma_start3A_141 = arith.constant 0 : i32
        %dma_start3A_142 = tpu.memref_slice %arg14[%dma_start3A_140, %dma_start3A_141] : memref<10112x64xf32, #tpu.memory_space<vmem_shared>> -> memref<10112x64xf32, #tpu.memory_space<vmem_shared>>
        tpu.enqueue_indirect_dma source(%arg13 : memref<128x64xf32, #tpu.memory_space<vmem>>) target(%dma_start3A_142 : memref<10112x64xf32, #tpu.memory_space<vmem_shared>>) offsets(%dma_start3A_139 : memref<128xi32, #tpu.memory_space<vmem>>) semaphore(%run_scoped3A : memref<!tpu.dma_semaphore, #tpu.memory_space<semaphore_mem>>) {add = true}
        %dma_wait3A_143 = arith.constant 0 : i32
        %dma_wait3A_144 = tpu.memref_slice %arg11[%add3A_114, %dma_wait3A_143] : memref<158x128xi32, #tpu.memory_space<vmem>> -> memref<1x128xi32, #tpu.memory_space<vmem>>
        %dma_wait3A_145 = tpu.memref_squeeze %dma_wait3A_144 : memref<1x128xi32, #tpu.memory_space<vmem>> -> memref<128xi32, #tpu.memory_space<vmem>>
        %dma_wait3A_146 = arith.constant 0 : i32
        %dma_wait3A_147 = arith.constant 0 : i32
        %dma_wait3A_148 = tpu.memref_slice %arg14[%dma_wait3A_146, %dma_wait3A_147] : memref<10112x64xf32, #tpu.memory_space<vmem_shared>> -> memref<10112x64xf32, #tpu.memory_space<vmem_shared>>
        tpu.wait_indirect_dma semaphore(%run_scoped3A : memref<!tpu.dma_semaphore, #tpu.memory_space<semaphore_mem>>) src(%arg13 : memref<128x64xf32, #tpu.memory_space<vmem>>) dst(%dma_wait3A_148 : memref<10112x64xf32, #tpu.memory_space<vmem_shared>>)
        tpu.yield
      }) : () -> ()
      %eq3A_125 = arith.constant 1 : i32
      %eq3A_126 = arith.cmpi eq, %arg0, %eq3A_125 : i32
      %convert_element_type3A_127 = arith.extui %eq3A_126 : i1 to i32
      %cond3A_128 = arith.constant 0 : i32
      %cond3A_129 = arith.cmpi ne, %convert_element_type3A_127, %cond3A_128 : i32
      scf.if %cond3A_129 {
        %dma_start3A_137 = arith.constant 0 : i32
        %dma_start3A_138 = tpu.memref_slice %arg11[%add3A_114, %dma_start3A_137] : memref<158x128xi32, #tpu.memory_space<vmem>> -> memref<1x128xi32, #tpu.memory_space<vmem>>
        %dma_start3A_139 = tpu.memref_squeeze %dma_start3A_138 : memref<1x128xi32, #tpu.memory_space<vmem>> -> memref<128xi32, #tpu.memory_space<vmem>>
        %dma_start3A_140 = arith.constant 0 : i32
        %dma_start3A_141 = arith.constant 0 : i32
        %dma_start3A_142 = tpu.memref_slice %arg18[%dma_start3A_140, %dma_start3A_141] : memref<10112x16xf32, #tpu.memory_space<vmem_shared>> -> memref<10112x16xf32, #tpu.memory_space<vmem_shared>>
        tpu.enqueue_indirect_dma source(%arg17 : memref<128x16xf32, #tpu.memory_space<vmem>>) target(%dma_start3A_142 : memref<10112x16xf32, #tpu.memory_space<vmem_shared>>) offsets(%dma_start3A_139 : memref<128xi32, #tpu.memory_space<vmem>>) semaphore(%arg19 : memref<!tpu.dma_semaphore, #tpu.memory_space<semaphore_mem>>) {add = true}
      } else {
      }
      %add3A_130 = arith.constant 2 : i32
      %add3A_131 = arith.addi %add3A_114, %add3A_130 : i32
      %lt3A_132 = arith.constant 158 : i32
      %lt3A_133 = arith.cmpi slt, %add3A_131, %lt3A_132 : i32
      %convert_element_type3A_134 = arith.extui %lt3A_133 : i1 to i32
      %cond3A_135 = arith.constant 0 : i32
      %cond3A_136 = arith.cmpi ne, %convert_element_type3A_134, %cond3A_135 : i32
      scf.if %cond3A_136 {
        %add3A_137 = arith.constant 2 : i32
        %add3A_138 = arith.addi %add3A_114, %add3A_137 : i32
        %dma_start3A_139 = arith.constant 0 : i32
        %dma_start3A_140 = tpu.memref_slice %arg10[%add3A_138, %dma_start3A_139] : memref<158x128xi32, #tpu.memory_space<vmem>> -> memref<1x128xi32, #tpu.memory_space<vmem>>
        %dma_start3A_141 = tpu.memref_squeeze %dma_start3A_140 : memref<1x128xi32, #tpu.memory_space<vmem>> -> memref<128xi32, #tpu.memory_space<vmem>>
        %dma_start3A_142 = arith.constant 0 : i32
        %dma_start3A_143 = arith.constant 0 : i32
        %dma_start3A_144 = tpu.memref_slice %arg2[%arg0, %dma_start3A_142, %dma_start3A_143] : memref<2x10000x64xf32, #tpu.memory_space<hbm>> -> memref<1x10000x64xf32, #tpu.memory_space<hbm>>
        %dma_start3A_145 = tpu.memref_squeeze %dma_start3A_144 : memref<1x10000x64xf32, #tpu.memory_space<hbm>> -> memref<10000x64xf32, #tpu.memory_space<hbm>>
        %dma_start3A_146 = arith.constant 0 : i32
        %dma_start3A_147 = arith.constant 0 : i32
        %dma_start3A_148 = tpu.memref_slice %dma_start3A_145[%dma_start3A_146, %dma_start3A_147] : memref<10000x64xf32, #tpu.memory_space<hbm>> -> memref<10000x64xf32, #tpu.memory_space<hbm>>
        tpu.enqueue_indirect_dma source(%dma_start3A_148 : memref<10000x64xf32, #tpu.memory_space<hbm>>) target(%arg13 : memref<128x64xf32, #tpu.memory_space<vmem>>) offsets(%dma_start3A_141 : memref<128xi32, #tpu.memory_space<vmem>>) semaphore(%arg16 : memref<!tpu.dma_semaphore, #tpu.memory_space<semaphore_mem>>)
      } else {
      }
    }
    %scan3A_63 = arith.constant 79 : i32
    %scan3A_64 = arith.constant 0 : i32
    %scan3A_65 = arith.constant 0 : i32
    %scan3A_66 = arith.constant 79 : i32
    %scan3A_67 = arith.addi %scan3A_65, %scan3A_66 : i32
    %scan3A_68 = arith.constant 1 : i32
    scf.for %scan3A_87 = %scan3A_65 to %scan3A_67 step %scan3A_68  : i32 {
      %dma_wait3A = arith.constant 0 : i32
      %dma_wait3A_88 = arith.constant 0 : i32
      %dma_wait3A_89 = tpu.memref_slice %arg11[%dma_wait3A, %dma_wait3A_88] : memref<158x128xi32, #tpu.memory_space<vmem>> -> memref<1x128xi32, #tpu.memory_space<vmem>>
      %dma_wait3A_90 = tpu.memref_squeeze %dma_wait3A_89 : memref<1x128xi32, #tpu.memory_space<vmem>> -> memref<128xi32, #tpu.memory_space<vmem>>
      %dma_wait3A_91 = arith.constant 0 : i32
      %dma_wait3A_92 = arith.constant 0 : i32
      %dma_wait3A_93 = tpu.memref_slice %arg18[%dma_wait3A_91, %dma_wait3A_92] : memref<10112x16xf32, #tpu.memory_space<vmem_shared>> -> memref<10112x16xf32, #tpu.memory_space<vmem_shared>>
      tpu.wait_indirect_dma semaphore(%arg19 : memref<!tpu.dma_semaphore, #tpu.memory_space<semaphore_mem>>) src(%arg17 : memref<128x16xf32, #tpu.memory_space<vmem>>) dst(%dma_wait3A_93 : memref<10112x16xf32, #tpu.memory_space<vmem_shared>>)
    }
    %scan3A_69 = arith.constant 79 : i32
    %barrier3A_70 = arith.constant 0 : index
    tpu.barrier barrier_id(%barrier3A_70)
    %lt3A = arith.constant 15 : i32
    %lt3A_71 = arith.cmpi slt, %arg1, %lt3A : i32
    %convert_element_type3A = arith.extui %lt3A_71 : i1 to i32
    %cond3A = arith.constant 0 : i32
    %cond3A_72 = arith.cmpi ne, %convert_element_type3A, %cond3A : i32
    scf.if %cond3A_72 {
      %mul3A_87 = arith.constant 632 : i32
      %mul3A_88 = arith.muli %arg1, %mul3A_87 : i32
      %mul3A_89 = arith.constant 632 : i32
      %mul3A_90 = arith.muli %arg1, %mul3A_89 : i32
      %mul3A_91 = arith.constant 64 : i32
      %mul3A_92 = arith.muli %arg0, %mul3A_91 : i32
      "tpu.region"() ({
        %run_scoped3A = tpu.sem_alloc : memref<!tpu.dma_semaphore, #tpu.memory_space<semaphore_mem>>
        %dma_start3A_93 = tpu.memref_slice %arg8[%mul3A_90, %mul3A_92] : memref<10000x128xf32, #tpu.memory_space<hbm>> -> memref<632x64xf32, #tpu.memory_space<hbm>>
        %dma_start3A_94 = arith.constant 0 : i32
        %dma_start3A_95 = tpu.memref_slice %arg14[%mul3A_88, %dma_start3A_94] : memref<10112x64xf32, #tpu.memory_space<vmem_shared>> -> memref<632x64xf32, #tpu.memory_space<vmem_shared>>
        tpu.enqueue_dma source(%dma_start3A_95 : memref<632x64xf32, #tpu.memory_space<vmem_shared>>) target(%dma_start3A_93 : memref<632x64xf32, #tpu.memory_space<hbm>>) target_semaphore(%run_scoped3A : memref<!tpu.dma_semaphore, #tpu.memory_space<semaphore_mem>>)
        %dma_wait3A = tpu.memref_slice %arg8[%mul3A_90, %mul3A_92] : memref<10000x128xf32, #tpu.memory_space<hbm>> -> memref<632x64xf32, #tpu.memory_space<hbm>>
        %dma_wait3A_96 = arith.constant 0 : i32
        %dma_wait3A_97 = tpu.memref_slice %arg14[%mul3A_88, %dma_wait3A_96] : memref<10112x64xf32, #tpu.memory_space<vmem_shared>> -> memref<632x64xf32, #tpu.memory_space<vmem_shared>>
        tpu.wait_dma2 semaphore(%run_scoped3A : memref<!tpu.dma_semaphore, #tpu.memory_space<semaphore_mem>>) src(%dma_wait3A_97 : memref<632x64xf32, #tpu.memory_space<vmem_shared>>) dst(%dma_wait3A : memref<632x64xf32, #tpu.memory_space<hbm>>)
        tpu.yield
      }) : () -> ()
    } else {
    }
    %eq3A = arith.constant 15 : i32
    %eq3A_73 = arith.cmpi eq, %arg1, %eq3A : i32
    %convert_element_type3A_74 = arith.extui %eq3A_73 : i1 to i32
    %cond3A_75 = arith.constant 0 : i32
    %cond3A_76 = arith.cmpi ne, %convert_element_type3A_74, %cond3A_75 : i32
    scf.if %cond3A_76 {
      %mul3A_87 = arith.constant 64 : i32
      %mul3A_88 = arith.muli %arg0, %mul3A_87 : i32
      "tpu.region"() ({
        %run_scoped3A = tpu.sem_alloc : memref<!tpu.dma_semaphore, #tpu.memory_space<semaphore_mem>>
        %dma_start3A_89 = arith.constant 9480 : i32
        %dma_start3A_90 = tpu.memref_slice %arg8[%dma_start3A_89, %mul3A_88] : memref<10000x128xf32, #tpu.memory_space<hbm>> -> memref<520x64xf32, #tpu.memory_space<hbm>>
        %dma_start3A_91 = arith.constant 9480 : i32
        %dma_start3A_92 = arith.constant 0 : i32
        %dma_start3A_93 = tpu.memref_slice %arg14[%dma_start3A_91, %dma_start3A_92] : memref<10112x64xf32, #tpu.memory_space<vmem_shared>> -> memref<520x64xf32, #tpu.memory_space<vmem_shared>>
        tpu.enqueue_dma source(%dma_start3A_93 : memref<520x64xf32, #tpu.memory_space<vmem_shared>>) target(%dma_start3A_90 : memref<520x64xf32, #tpu.memory_space<hbm>>) target_semaphore(%run_scoped3A : memref<!tpu.dma_semaphore, #tpu.memory_space<semaphore_mem>>)
        %dma_wait3A = arith.constant 9480 : i32
        %dma_wait3A_94 = tpu.memref_slice %arg8[%dma_wait3A, %mul3A_88] : memref<10000x128xf32, #tpu.memory_space<hbm>> -> memref<520x64xf32, #tpu.memory_space<hbm>>
        %dma_wait3A_95 = arith.constant 9480 : i32
        %dma_wait3A_96 = arith.constant 0 : i32
        %dma_wait3A_97 = tpu.memref_slice %arg14[%dma_wait3A_95, %dma_wait3A_96] : memref<10112x64xf32, #tpu.memory_space<vmem_shared>> -> memref<520x64xf32, #tpu.memory_space<vmem_shared>>
        tpu.wait_dma2 semaphore(%run_scoped3A : memref<!tpu.dma_semaphore, #tpu.memory_space<semaphore_mem>>) src(%dma_wait3A_97 : memref<520x64xf32, #tpu.memory_space<vmem_shared>>) dst(%dma_wait3A_94 : memref<520x64xf32, #tpu.memory_space<hbm>>)
        tpu.yield
      }) : () -> ()
    } else {
    }
    %lt3A_77 = arith.constant 15 : i32
    %lt3A_78 = arith.cmpi slt, %arg1, %lt3A_77 : i32
    %convert_element_type3A_79 = arith.extui %lt3A_78 : i1 to i32
    %cond3A_80 = arith.constant 0 : i32
    %cond3A_81 = arith.cmpi ne, %convert_element_type3A_79, %cond3A_80 : i32
    scf.if %cond3A_81 {
      %mul3A_87 = arith.constant 632 : i32
      %mul3A_88 = arith.muli %arg1, %mul3A_87 : i32
      %mul3A_89 = arith.constant 632 : i32
      %mul3A_90 = arith.muli %arg1, %mul3A_89 : i32
      "tpu.region"() ({
        %run_scoped3A = tpu.sem_alloc : memref<!tpu.dma_semaphore, #tpu.memory_space<semaphore_mem>>
        %dma_start3A_91 = arith.constant 0 : i32
        %dma_start3A_92 = arith.constant 0 : i32
        %dma_start3A_93 = tpu.memref_slice %arg9[%arg0, %dma_start3A_91, %dma_start3A_92] : memref<2x10000x16xf32, #tpu.memory_space<hbm>> -> memref<1x10000x16xf32, #tpu.memory_space<hbm>>
        %dma_start3A_94 = tpu.memref_squeeze %dma_start3A_93 : memref<1x10000x16xf32, #tpu.memory_space<hbm>> -> memref<10000x16xf32, #tpu.memory_space<hbm>>
        %dma_start3A_95 = arith.constant 0 : i32
        %dma_start3A_96 = tpu.memref_slice %dma_start3A_94[%mul3A_90, %dma_start3A_95] : memref<10000x16xf32, #tpu.memory_space<hbm>> -> memref<632x16xf32, #tpu.memory_space<hbm>>
        %dma_start3A_97 = arith.constant 0 : i32
        %dma_start3A_98 = tpu.memref_slice %arg18[%mul3A_88, %dma_start3A_97] : memref<10112x16xf32, #tpu.memory_space<vmem_shared>> -> memref<632x16xf32, #tpu.memory_space<vmem_shared>>
        tpu.enqueue_dma source(%dma_start3A_98 : memref<632x16xf32, #tpu.memory_space<vmem_shared>>) target(%dma_start3A_96 : memref<632x16xf32, #tpu.memory_space<hbm>>) target_semaphore(%run_scoped3A : memref<!tpu.dma_semaphore, #tpu.memory_space<semaphore_mem>>)
        %dma_wait3A = arith.constant 0 : i32
        %dma_wait3A_99 = arith.constant 0 : i32
        %dma_wait3A_100 = tpu.memref_slice %arg9[%arg0, %dma_wait3A, %dma_wait3A_99] : memref<2x10000x16xf32, #tpu.memory_space<hbm>> -> memref<1x10000x16xf32, #tpu.memory_space<hbm>>
        %dma_wait3A_101 = tpu.memref_squeeze %dma_wait3A_100 : memref<1x10000x16xf32, #tpu.memory_space<hbm>> -> memref<10000x16xf32, #tpu.memory_space<hbm>>
        %dma_wait3A_102 = arith.constant 0 : i32
        %dma_wait3A_103 = tpu.memref_slice %dma_wait3A_101[%mul3A_90, %dma_wait3A_102] : memref<10000x16xf32, #tpu.memory_space<hbm>> -> memref<632x16xf32, #tpu.memory_space<hbm>>
        %dma_wait3A_104 = arith.constant 0 : i32
        %dma_wait3A_105 = tpu.memref_slice %arg18[%mul3A_88, %dma_wait3A_104] : memref<10112x16xf32, #tpu.memory_space<vmem_shared>> -> memref<632x16xf32, #tpu.memory_space<vmem_shared>>
        tpu.wait_dma2 semaphore(%run_scoped3A : memref<!tpu.dma_semaphore, #tpu.memory_space<semaphore_mem>>) src(%dma_wait3A_105 : memref<632x16xf32, #tpu.memory_space<vmem_shared>>) dst(%dma_wait3A_103 : memref<632x16xf32, #tpu.memory_space<hbm>>)
        tpu.yield
      }) : () -> ()
    } else {
    }
    %eq3A_82 = arith.constant 15 : i32
    %eq3A_83 = arith.cmpi eq, %arg1, %eq3A_82 : i32
    %convert_element_type3A_84 = arith.extui %eq3A_83 : i1 to i32
    %cond3A_85 = arith.constant 0 : i32
    %cond3A_86 = arith.cmpi ne, %convert_element_type3A_84, %cond3A_85 : i32
    scf.if %cond3A_86 {
      "tpu.region"() ({
        %run_scoped3A = tpu.sem_alloc : memref<!tpu.dma_semaphore, #tpu.memory_space<semaphore_mem>>
        %dma_start3A_87 = arith.constant 0 : i32
        %dma_start3A_88 = arith.constant 0 : i32
        %dma_start3A_89 = tpu.memref_slice %arg9[%arg0, %dma_start3A_87, %dma_start3A_88] : memref<2x10000x16xf32, #tpu.memory_space<hbm>> -> memref<1x10000x16xf32, #tpu.memory_space<hbm>>
        %dma_start3A_90 = tpu.memref_squeeze %dma_start3A_89 : memref<1x10000x16xf32, #tpu.memory_space<hbm>> -> memref<10000x16xf32, #tpu.memory_space<hbm>>
        %dma_start3A_91 = arith.constant 9480 : i32
        %dma_start3A_92 = arith.constant 0 : i32
        %dma_start3A_93 = tpu.memref_slice %dma_start3A_90[%dma_start3A_91, %dma_start3A_92] : memref<10000x16xf32, #tpu.memory_space<hbm>> -> memref<520x16xf32, #tpu.memory_space<hbm>>
        %dma_start3A_94 = arith.constant 9480 : i32
        %dma_start3A_95 = arith.constant 0 : i32
        %dma_start3A_96 = tpu.memref_slice %arg18[%dma_start3A_94, %dma_start3A_95] : memref<10112x16xf32, #tpu.memory_space<vmem_shared>> -> memref<520x16xf32, #tpu.memory_space<vmem_shared>>
        tpu.enqueue_dma source(%dma_start3A_96 : memref<520x16xf32, #tpu.memory_space<vmem_shared>>) target(%dma_start3A_93 : memref<520x16xf32, #tpu.memory_space<hbm>>) target_semaphore(%run_scoped3A : memref<!tpu.dma_semaphore, #tpu.memory_space<semaphore_mem>>)
        %dma_wait3A = arith.constant 0 : i32
        %dma_wait3A_97 = arith.constant 0 : i32
        %dma_wait3A_98 = tpu.memref_slice %arg9[%arg0, %dma_wait3A, %dma_wait3A_97] : memref<2x10000x16xf32, #tpu.memory_space<hbm>> -> memref<1x10000x16xf32, #tpu.memory_space<hbm>>
        %dma_wait3A_99 = tpu.memref_squeeze %dma_wait3A_98 : memref<1x10000x16xf32, #tpu.memory_space<hbm>> -> memref<10000x16xf32, #tpu.memory_space<hbm>>
        %dma_wait3A_100 = arith.constant 9480 : i32
        %dma_wait3A_101 = arith.constant 0 : i32
        %dma_wait3A_102 = tpu.memref_slice %dma_wait3A_99[%dma_wait3A_100, %dma_wait3A_101] : memref<10000x16xf32, #tpu.memory_space<hbm>> -> memref<520x16xf32, #tpu.memory_space<hbm>>
        %dma_wait3A_103 = arith.constant 9480 : i32
        %dma_wait3A_104 = arith.constant 0 : i32
        %dma_wait3A_105 = tpu.memref_slice %arg18[%dma_wait3A_103, %dma_wait3A_104] : memref<10112x16xf32, #tpu.memory_space<vmem_shared>> -> memref<520x16xf32, #tpu.memory_space<vmem_shared>>
        tpu.wait_dma2 semaphore(%run_scoped3A : memref<!tpu.dma_semaphore, #tpu.memory_space<semaphore_mem>>) src(%dma_wait3A_105 : memref<520x16xf32, #tpu.memory_space<vmem_shared>>) dst(%dma_wait3A_102 : memref<520x16xf32, #tpu.memory_space<hbm>>)
        tpu.yield
      }) : () -> ()
    } else {
    }
    return
  }
}

module attributes {stable_mosaic.version = 14 : i64} {
  func.func @_tc1_body(%arg0: i32, %arg1: memref<1000x128xf32, #tpu.memory_space<vmem>>, %arg2: memref<1x1000x16xf32, #tpu.memory_space<vmem>>, %arg3: memref<1x1000x16xf32, #tpu.memory_space<vmem>>, %arg4: memref<1000x128xf32, #tpu.memory_space<vmem>>, %arg5: memref<128x128xf32, #tpu.memory_space<vmem>>, %arg6: memref<1x128xf32, #tpu.memory_space<vmem>>, %arg7: memref<128x128xf32, #tpu.memory_space<vmem>>, %arg8: memref<2x1000x64xf32, #tpu.memory_space<vmem>>) attributes {dimension_semantics = [#tpu.dimension_semantics<arbitrary>], iteration_bounds = array<i64: 10>, scalar_prefetch = 0 : i64, scratch_operands = 0 : i64, tpu.core_type = #tpu.core_type<tc>, window_params = [{transform_indices = @transform_0, window_bounds = array<i64: 1000, 128>}, {transform_indices = @transform_1, window_bounds = array<i64: 1, 1000, 16>}, {transform_indices = @transform_2, window_bounds = array<i64: 1, 1000, 16>}, {transform_indices = @transform_3, window_bounds = array<i64: 1000, 128>}, {pipeline_mode = #tpu.pipeline_mode<synchronous>, transform_indices = @transform_4, window_bounds = array<i64: 128, 128>}, {pipeline_mode = #tpu.pipeline_mode<synchronous>, transform_indices = @transform_5, window_bounds = array<i64: 1, 128>}, {pipeline_mode = #tpu.pipeline_mode<synchronous>, transform_indices = @transform_6, window_bounds = array<i64: 128, 128>}, {transform_indices = @transform_7, window_bounds = array<i64: 2, 1000, 64>}]} {
    %get3A = arith.constant 0 : index
    %get3A_0 = arith.constant 0 : index
    %get3A_1 = arith.constant 0 : index
    %get3A_2 = vector.load %arg2[%get3A, %get3A_0, %get3A_1] : memref<1x1000x16xf32, #tpu.memory_space<vmem>>, vector<1x1000x1xf32>
    %get3A_3 = vector.shape_cast %get3A_2 : vector<1x1000x1xf32> to vector<1000x1xf32>
    %get3A_4 = arith.constant 0 : index
    %get3A_5 = arith.constant 0 : index
    %get3A_6 = arith.constant 0 : index
    %get3A_7 = vector.load %arg3[%get3A_4, %get3A_5, %get3A_6] : memref<1x1000x16xf32, #tpu.memory_space<vmem>>, vector<1x1000x1xf32>
    %get3A_8 = vector.shape_cast %get3A_7 : vector<1x1000x1xf32> to vector<1000x1xf32>
    %add3A = arith.addf %get3A_3, %get3A_8 : vector<1000x1xf32>
    %max3A = arith.constant 1.000000e+00 : f32
    %max3A_9 = vector.broadcast %max3A : f32 to vector<1000x1xf32>
    %max3A_10 = arith.maximumf %add3A, %max3A_9 : vector<1000x1xf32>
    %get3A_11 = arith.constant 0 : index
    %get3A_12 = arith.constant 0 : index
    %get3A_13 = vector.load %arg1[%get3A_11, %get3A_12] : memref<1000x128xf32, #tpu.memory_space<vmem>>, vector<1000x128xf32>
    %div3A = vector.broadcast %max3A_10 : vector<1000x1xf32> to vector<1000x128xf32>
    %div3A_14 = arith.divf %get3A_13, %div3A : vector<1000x128xf32>
    %get3A_15 = arith.constant 0 : index
    %get3A_16 = arith.constant 0 : index
    %get3A_17 = vector.load %arg5[%get3A_15, %get3A_16] : memref<128x128xf32, #tpu.memory_space<vmem>>, vector<128x128xf32>
    %dot_general3A = arith.constant dense<0.000000e+00> : vector<1000x128xf32>
    %dot_general3A_18 = tpu.matmul %div3A_14, %get3A_17, %dot_general3A {dimension_numbers = #tpu.dot_dimension_numbers<[1], [1], [0], [0], [0, 0, 1, 0], [], []>, transpose_lhs_hint = false} : vector<1000x128xf32>, vector<128x128xf32>, vector<1000x128xf32> -> vector<1000x128xf32>
    %get3A_19 = arith.constant 0 : index
    %get3A_20 = arith.constant 0 : index
    %get3A_21 = vector.load %arg6[%get3A_19, %get3A_20] : memref<1x128xf32, #tpu.memory_space<vmem>>, vector<1x128xf32>
    %add3A_22 = vector.broadcast %get3A_21 : vector<1x128xf32> to vector<1000x128xf32>
    %add3A_23 = arith.addf %dot_general3A_18, %add3A_22 : vector<1000x128xf32>
    %get3A_24 = arith.constant 0 : index
    %get3A_25 = arith.constant 0 : index
    %get3A_26 = vector.load %arg4[%get3A_24, %get3A_25] : memref<1000x128xf32, #tpu.memory_space<vmem>>, vector<1000x128xf32>
    %get3A_27 = arith.constant 0 : index
    %get3A_28 = arith.constant 0 : index
    %get3A_29 = vector.load %arg7[%get3A_27, %get3A_28] : memref<128x128xf32, #tpu.memory_space<vmem>>, vector<128x128xf32>
    %dot_general3A_30 = arith.constant dense<0.000000e+00> : vector<1000x128xf32>
    %dot_general3A_31 = tpu.matmul %get3A_26, %get3A_29, %dot_general3A_30 {dimension_numbers = #tpu.dot_dimension_numbers<[1], [1], [0], [0], [0, 0, 1, 0], [], []>, transpose_lhs_hint = false} : vector<1000x128xf32>, vector<128x128xf32>, vector<1000x128xf32> -> vector<1000x128xf32>
    %add3A_32 = arith.addf %add3A_23, %dot_general3A_31 : vector<1000x128xf32>
    %max3A_33 = arith.constant 0.000000e+00 : f32
    %max3A_34 = vector.broadcast %max3A_33 : f32 to vector<1000x128xf32>
    %max3A_35 = arith.maximumf %add3A_32, %max3A_34 : vector<1000x128xf32>
    %slice3A = vector.extract_strided_slice %max3A_35 {offsets = [0, 0], sizes = [1000, 64], strides = [1, 1]} : vector<1000x128xf32> to vector<1000x64xf32>
    %swap3A = arith.constant 0 : index
    %swap3A_36 = arith.constant 0 : index
    %swap3A_37 = arith.constant 0 : index
    %swap3A_38 = vector.load %arg8[%swap3A, %swap3A_36, %swap3A_37] : memref<2x1000x64xf32, #tpu.memory_space<vmem>>, vector<1x1000x64xf32>
    %swap3A_39 = vector.shape_cast %swap3A_38 : vector<1x1000x64xf32> to vector<1000x64xf32>
    %swap3A_40 = vector.shape_cast %slice3A : vector<1000x64xf32> to vector<1x1000x64xf32>
    tpu.vector_store %arg8[%swap3A, %swap3A_36, %swap3A_37], %swap3A_40 {strides = array<i32>} : memref<2x1000x64xf32, #tpu.memory_space<vmem>>, vector<1x1000x64xf32>,
    %slice3A_41 = vector.extract_strided_slice %max3A_35 {offsets = [0, 64], sizes = [1000, 64], strides = [1, 1]} : vector<1000x128xf32> to vector<1000x64xf32>
    %swap3A_42 = arith.constant 1 : index
    %swap3A_43 = arith.constant 0 : index
    %swap3A_44 = arith.constant 0 : index
    %swap3A_45 = vector.load %arg8[%swap3A_42, %swap3A_43, %swap3A_44] : memref<2x1000x64xf32, #tpu.memory_space<vmem>>, vector<1x1000x64xf32>
    %swap3A_46 = vector.shape_cast %swap3A_45 : vector<1x1000x64xf32> to vector<1000x64xf32>
    %swap3A_47 = vector.shape_cast %slice3A_41 : vector<1000x64xf32> to vector<1x1000x64xf32>
    tpu.vector_store %arg8[%swap3A_42, %swap3A_43, %swap3A_44], %swap3A_47 {strides = array<i32>} : memref<2x1000x64xf32, #tpu.memory_space<vmem>>, vector<1x1000x64xf32>,
    return
  }
  func.func @transform_0(%arg0: i32) -> (i32, i32) {
    %c0_i32 = arith.constant 0 : i32
    %c0_i32_0 = arith.constant 0 : i32
    return %arg0, %c0_i32 : i32, i32
  }
  func.func @transform_1(%arg0: i32) -> (i32, i32, i32) {
    %c0_i32 = arith.constant 0 : i32
    %c0_i32_0 = arith.constant 0 : i32
    %c0_i32_1 = arith.constant 0 : i32
    return %c0_i32, %arg0, %c0_i32_0 : i32, i32, i32
  }
  func.func @transform_2(%arg0: i32) -> (i32, i32, i32) {
    %c1_i32 = arith.constant 1 : i32
    %c0_i32 = arith.constant 0 : i32
    %c0_i32_0 = arith.constant 0 : i32
    return %c1_i32, %arg0, %c0_i32 : i32, i32, i32
  }
  func.func @transform_3(%arg0: i32) -> (i32, i32) {
    %c0_i32 = arith.constant 0 : i32
    %c0_i32_0 = arith.constant 0 : i32
    return %arg0, %c0_i32 : i32, i32
  }
  func.func @transform_4(%arg0: i32) -> (i32, i32) {
    %c0_i32 = arith.constant 0 : i32
    %c0_i32_0 = arith.constant 0 : i32
    %c0_i32_1 = arith.constant 0 : i32
    return %c0_i32, %c0_i32_0 : i32, i32
  }
  func.func @transform_5(%arg0: i32) -> (i32, i32) {
    %c0_i32 = arith.constant 0 : i32
    %c0_i32_0 = arith.constant 0 : i32
    %c0_i32_1 = arith.constant 0 : i32
    return %c0_i32, %c0_i32_0 : i32, i32
  }
  func.func @transform_6(%arg0: i32) -> (i32, i32) {
    %c0_i32 = arith.constant 0 : i32
    %c0_i32_0 = arith.constant 0 : i32
    %c0_i32_1 = arith.constant 0 : i32
    return %c0_i32, %c0_i32_0 : i32, i32
  }
  func.func @transform_7(%arg0: i32) -> (i32, i32, i32) {
    %c0_i32 = arith.constant 0 : i32
    %c0_i32_0 = arith.constant 0 : i32
    %c0_i32_1 = arith.constant 0 : i32
    return %c0_i32, %arg0, %c0_i32_0 : i32, i32, i32
  }
}

module attributes {stable_mosaic.version = 14 : i64} {
  func.func @_tc2_body(%arg0: i32, %arg1: memref<1000x128xf32, #tpu.memory_space<vmem>>, %arg2: memref<1x1000x16xf32, #tpu.memory_space<vmem>>, %arg3: memref<1x1000x16xf32, #tpu.memory_space<vmem>>, %arg4: memref<2x1000x64xf32, #tpu.memory_space<vmem>>, %arg5: memref<128x128xf32, #tpu.memory_space<vmem>>, %arg6: memref<1x128xf32, #tpu.memory_space<vmem>>, %arg7: memref<128x128xf32, #tpu.memory_space<vmem>>, %arg8: memref<128x128xf32, #tpu.memory_space<vmem>>, %arg9: memref<1x128xf32, #tpu.memory_space<vmem>>, %arg10: memref<128x128xf32, #tpu.memory_space<vmem>>, %arg11: memref<1x128xf32, #tpu.memory_space<vmem>>, %arg12: memref<1000x128xf32, #tpu.memory_space<vmem>>, %arg13: memref<1000x128xf32, #tpu.memory_space<vmem>>, %arg14: memref<1000x128xf32, #tpu.memory_space<vmem>>) attributes {dimension_semantics = [#tpu.dimension_semantics<arbitrary>], iteration_bounds = array<i64: 10>, scalar_prefetch = 0 : i64, scratch_operands = 0 : i64, tpu.core_type = #tpu.core_type<tc>, window_params = [{transform_indices = @transform_0, window_bounds = array<i64: 1000, 128>}, {transform_indices = @transform_1, window_bounds = array<i64: 1, 1000, 16>}, {transform_indices = @transform_2, window_bounds = array<i64: 1, 1000, 16>}, {transform_indices = @transform_3, window_bounds = array<i64: 2, 1000, 64>}, {pipeline_mode = #tpu.pipeline_mode<synchronous>, transform_indices = @transform_4, window_bounds = array<i64: 128, 128>}, {pipeline_mode = #tpu.pipeline_mode<synchronous>, transform_indices = @transform_5, window_bounds = array<i64: 1, 128>}, {pipeline_mode = #tpu.pipeline_mode<synchronous>, transform_indices = @transform_6, window_bounds = array<i64: 128, 128>}, {pipeline_mode = #tpu.pipeline_mode<synchronous>, transform_indices = @transform_7, window_bounds = array<i64: 128, 128>}, {pipeline_mode = #tpu.pipeline_mode<synchronous>, transform_indices = @transform_8, window_bounds = array<i64: 1, 128>}, {pipeline_mode = #tpu.pipeline_mode<synchronous>, transform_indices = @transform_9, window_bounds = array<i64: 128, 128>}, {pipeline_mode = #tpu.pipeline_mode<synchronous>, transform_indices = @transform_10, window_bounds = array<i64: 1, 128>}, {transform_indices = @transform_11, window_bounds = array<i64: 1000, 128>}, {transform_indices = @transform_12, window_bounds = array<i64: 1000, 128>}, {transform_indices = @transform_13, window_bounds = array<i64: 1000, 128>}]} {
    %get3A = arith.constant 0 : index
    %get3A_0 = arith.constant 0 : index
    %get3A_1 = arith.constant 0 : index
    %get3A_2 = vector.load %arg2[%get3A, %get3A_0, %get3A_1] : memref<1x1000x16xf32, #tpu.memory_space<vmem>>, vector<1x1000x1xf32>
    %get3A_3 = vector.shape_cast %get3A_2 : vector<1x1000x1xf32> to vector<1000x1xf32>
    %get3A_4 = arith.constant 0 : index
    %get3A_5 = arith.constant 0 : index
    %get3A_6 = arith.constant 0 : index
    %get3A_7 = vector.load %arg3[%get3A_4, %get3A_5, %get3A_6] : memref<1x1000x16xf32, #tpu.memory_space<vmem>>, vector<1x1000x1xf32>
    %get3A_8 = vector.shape_cast %get3A_7 : vector<1x1000x1xf32> to vector<1000x1xf32>
    %add3A = arith.addf %get3A_3, %get3A_8 : vector<1000x1xf32>
    %max3A = arith.constant 1.000000e+00 : f32
    %max3A_9 = vector.broadcast %max3A : f32 to vector<1000x1xf32>
    %max3A_10 = arith.maximumf %add3A, %max3A_9 : vector<1000x1xf32>
    %get3A_11 = arith.constant 0 : index
    %get3A_12 = arith.constant 0 : index
    %get3A_13 = vector.load %arg1[%get3A_11, %get3A_12] : memref<1000x128xf32, #tpu.memory_space<vmem>>, vector<1000x128xf32>
    %div3A = vector.broadcast %max3A_10 : vector<1000x1xf32> to vector<1000x128xf32>
    %div3A_14 = arith.divf %get3A_13, %div3A : vector<1000x128xf32>
    %get3A_15 = arith.constant 0 : index
    %get3A_16 = arith.constant 0 : index
    %get3A_17 = arith.constant 0 : index
    %get3A_18 = vector.load %arg4[%get3A_15, %get3A_16, %get3A_17] : memref<2x1000x64xf32, #tpu.memory_space<vmem>>, vector<1x1000x64xf32>
    %get3A_19 = vector.shape_cast %get3A_18 : vector<1x1000x64xf32> to vector<1000x64xf32>
    %get3A_20 = arith.constant 1 : index
    %get3A_21 = arith.constant 0 : index
    %get3A_22 = arith.constant 0 : index
    %get3A_23 = vector.load %arg4[%get3A_20, %get3A_21, %get3A_22] : memref<2x1000x64xf32, #tpu.memory_space<vmem>>, vector<1x1000x64xf32>
    %get3A_24 = vector.shape_cast %get3A_23 : vector<1x1000x64xf32> to vector<1000x64xf32>
    %concatenate3A = tpu.concatenate %get3A_19, %get3A_24 in 1 : vector<1000x64xf32>, vector<1000x64xf32> -> vector<1000x128xf32>
    %get3A_25 = arith.constant 0 : index
    %get3A_26 = arith.constant 0 : index
    %get3A_27 = vector.load %arg5[%get3A_25, %get3A_26] : memref<128x128xf32, #tpu.memory_space<vmem>>, vector<128x128xf32>
    %dot_general3A = arith.constant dense<0.000000e+00> : vector<1000x128xf32>
    %dot_general3A_28 = tpu.matmul %div3A_14, %get3A_27, %dot_general3A {dimension_numbers = #tpu.dot_dimension_numbers<[1], [1], [0], [0], [0, 0, 1, 0], [], []>, transpose_lhs_hint = false} : vector<1000x128xf32>, vector<128x128xf32>, vector<1000x128xf32> -> vector<1000x128xf32>
    %get3A_29 = arith.constant 0 : index
    %get3A_30 = arith.constant 0 : index
    %get3A_31 = vector.load %arg6[%get3A_29, %get3A_30] : memref<1x128xf32, #tpu.memory_space<vmem>>, vector<1x128xf32>
    %add3A_32 = vector.broadcast %get3A_31 : vector<1x128xf32> to vector<1000x128xf32>
    %add3A_33 = arith.addf %dot_general3A_28, %add3A_32 : vector<1000x128xf32>
    %get3A_34 = arith.constant 0 : index
    %get3A_35 = arith.constant 0 : index
    %get3A_36 = vector.load %arg7[%get3A_34, %get3A_35] : memref<128x128xf32, #tpu.memory_space<vmem>>, vector<128x128xf32>
    %dot_general3A_37 = arith.constant dense<0.000000e+00> : vector<1000x128xf32>
    %dot_general3A_38 = tpu.matmul %concatenate3A, %get3A_36, %dot_general3A_37 {dimension_numbers = #tpu.dot_dimension_numbers<[1], [1], [0], [0], [0, 0, 1, 0], [], []>, transpose_lhs_hint = false} : vector<1000x128xf32>, vector<128x128xf32>, vector<1000x128xf32> -> vector<1000x128xf32>
    %add3A_39 = arith.addf %add3A_33, %dot_general3A_38 : vector<1000x128xf32>
    %swap3A = arith.constant 0 : index
    %swap3A_40 = arith.constant 0 : index
    %swap3A_41 = vector.load %arg12[%swap3A, %swap3A_40] : memref<1000x128xf32, #tpu.memory_space<vmem>>, vector<1000x128xf32>
    tpu.vector_store %arg12[%swap3A, %swap3A_40], %add3A_39 {strides = array<i32>} : memref<1000x128xf32, #tpu.memory_space<vmem>>, vector<1000x128xf32>,
    %get3A_42 = arith.constant 0 : index
    %get3A_43 = arith.constant 0 : index
    %get3A_44 = vector.load %arg8[%get3A_42, %get3A_43] : memref<128x128xf32, #tpu.memory_space<vmem>>, vector<128x128xf32>
    %dot_general3A_45 = arith.constant dense<0.000000e+00> : vector<1000x128xf32>
    %dot_general3A_46 = tpu.matmul %add3A_39, %get3A_44, %dot_general3A_45 {dimension_numbers = #tpu.dot_dimension_numbers<[1], [1], [0], [0], [0, 0, 1, 0], [], []>, transpose_lhs_hint = false} : vector<1000x128xf32>, vector<128x128xf32>, vector<1000x128xf32> -> vector<1000x128xf32>
    %get3A_47 = arith.constant 0 : index
    %get3A_48 = arith.constant 0 : index
    %get3A_49 = vector.load %arg9[%get3A_47, %get3A_48] : memref<1x128xf32, #tpu.memory_space<vmem>>, vector<1x128xf32>
    %add3A_50 = vector.broadcast %get3A_49 : vector<1x128xf32> to vector<1000x128xf32>
    %add3A_51 = arith.addf %dot_general3A_46, %add3A_50 : vector<1000x128xf32>
    %max3A_52 = arith.constant 0.000000e+00 : f32
    %max3A_53 = vector.broadcast %max3A_52 : f32 to vector<1000x128xf32>
    %max3A_54 = arith.maximumf %add3A_51, %max3A_53 : vector<1000x128xf32>
    %swap3A_55 = arith.constant 0 : index
    %swap3A_56 = arith.constant 0 : index
    %swap3A_57 = vector.load %arg13[%swap3A_55, %swap3A_56] : memref<1000x128xf32, #tpu.memory_space<vmem>>, vector<1000x128xf32>
    tpu.vector_store %arg13[%swap3A_55, %swap3A_56], %max3A_54 {strides = array<i32>} : memref<1000x128xf32, #tpu.memory_space<vmem>>, vector<1000x128xf32>,
    %get3A_58 = arith.constant 0 : index
    %get3A_59 = arith.constant 0 : index
    %get3A_60 = vector.load %arg10[%get3A_58, %get3A_59] : memref<128x128xf32, #tpu.memory_space<vmem>>, vector<128x128xf32>
    %dot_general3A_61 = arith.constant dense<0.000000e+00> : vector<1000x128xf32>
    %dot_general3A_62 = tpu.matmul %add3A_39, %get3A_60, %dot_general3A_61 {dimension_numbers = #tpu.dot_dimension_numbers<[1], [1], [0], [0], [0, 0, 1, 0], [], []>, transpose_lhs_hint = false} : vector<1000x128xf32>, vector<128x128xf32>, vector<1000x128xf32> -> vector<1000x128xf32>
    %get3A_63 = arith.constant 0 : index
    %get3A_64 = arith.constant 0 : index
    %get3A_65 = vector.load %arg11[%get3A_63, %get3A_64] : memref<1x128xf32, #tpu.memory_space<vmem>>, vector<1x128xf32>
    %add3A_66 = vector.broadcast %get3A_65 : vector<1x128xf32> to vector<1000x128xf32>
    %add3A_67 = arith.addf %dot_general3A_62, %add3A_66 : vector<1000x128xf32>
    %max3A_68 = arith.constant 0.000000e+00 : f32
    %max3A_69 = vector.broadcast %max3A_68 : f32 to vector<1000x128xf32>
    %max3A_70 = arith.maximumf %add3A_67, %max3A_69 : vector<1000x128xf32>
    %swap3A_71 = arith.constant 0 : index
    %swap3A_72 = arith.constant 0 : index
    %swap3A_73 = vector.load %arg14[%swap3A_71, %swap3A_72] : memref<1000x128xf32, #tpu.memory_space<vmem>>, vector<1000x128xf32>
    tpu.vector_store %arg14[%swap3A_71, %swap3A_72], %max3A_70 {strides = array<i32>} : memref<1000x128xf32, #tpu.memory_space<vmem>>, vector<1000x128xf32>,
    return
  }
  func.func @transform_0(%arg0: i32) -> (i32, i32) {
    %c0_i32 = arith.constant 0 : i32
    %c0_i32_0 = arith.constant 0 : i32
    return %arg0, %c0_i32 : i32, i32
  }
  func.func @transform_1(%arg0: i32) -> (i32, i32, i32) {
    %c0_i32 = arith.constant 0 : i32
    %c0_i32_0 = arith.constant 0 : i32
    %c0_i32_1 = arith.constant 0 : i32
    return %c0_i32, %arg0, %c0_i32_0 : i32, i32, i32
  }
  func.func @transform_2(%arg0: i32) -> (i32, i32, i32) {
    %c1_i32 = arith.constant 1 : i32
    %c0_i32 = arith.constant 0 : i32
    %c0_i32_0 = arith.constant 0 : i32
    return %c1_i32, %arg0, %c0_i32 : i32, i32, i32
  }
  func.func @transform_3(%arg0: i32) -> (i32, i32, i32) {
    %c0_i32 = arith.constant 0 : i32
    %c0_i32_0 = arith.constant 0 : i32
    %c0_i32_1 = arith.constant 0 : i32
    return %c0_i32, %arg0, %c0_i32_0 : i32, i32, i32
  }
  func.func @transform_4(%arg0: i32) -> (i32, i32) {
    %c0_i32 = arith.constant 0 : i32
    %c0_i32_0 = arith.constant 0 : i32
    %c0_i32_1 = arith.constant 0 : i32
    return %c0_i32, %c0_i32_0 : i32, i32
  }
  func.func @transform_5(%arg0: i32) -> (i32, i32) {
    %c0_i32 = arith.constant 0 : i32
    %c0_i32_0 = arith.constant 0 : i32
    %c0_i32_1 = arith.constant 0 : i32
    return %c0_i32, %c0_i32_0 : i32, i32
  }
  func.func @transform_6(%arg0: i32) -> (i32, i32) {
    %c0_i32 = arith.constant 0 : i32
    %c0_i32_0 = arith.constant 0 : i32
    %c0_i32_1 = arith.constant 0 : i32
    return %c0_i32, %c0_i32_0 : i32, i32
  }
  func.func @transform_7(%arg0: i32) -> (i32, i32) {
    %c0_i32 = arith.constant 0 : i32
    %c0_i32_0 = arith.constant 0 : i32
    %c0_i32_1 = arith.constant 0 : i32
    return %c0_i32, %c0_i32_0 : i32, i32
  }
  func.func @transform_8(%arg0: i32) -> (i32, i32) {
    %c0_i32 = arith.constant 0 : i32
    %c0_i32_0 = arith.constant 0 : i32
    %c0_i32_1 = arith.constant 0 : i32
    return %c0_i32, %c0_i32_0 : i32, i32
  }
  func.func @transform_9(%arg0: i32) -> (i32, i32) {
    %c0_i32 = arith.constant 0 : i32
    %c0_i32_0 = arith.constant 0 : i32
    %c0_i32_1 = arith.constant 0 : i32
    return %c0_i32, %c0_i32_0 : i32, i32
  }
  func.func @transform_10(%arg0: i32) -> (i32, i32) {
    %c0_i32 = arith.constant 0 : i32
    %c0_i32_0 = arith.constant 0 : i32
    %c0_i32_1 = arith.constant 0 : i32
    return %c0_i32, %c0_i32_0 : i32, i32
  }
  func.func @transform_11(%arg0: i32) -> (i32, i32) {
    %c0_i32 = arith.constant 0 : i32
    %c0_i32_0 = arith.constant 0 : i32
    return %arg0, %c0_i32 : i32, i32
  }
  func.func @transform_12(%arg0: i32) -> (i32, i32) {
    %c0_i32 = arith.constant 0 : i32
    %c0_i32_0 = arith.constant 0 : i32
    return %arg0, %c0_i32 : i32, i32
  }
  func.func @transform_13(%arg0: i32) -> (i32, i32) {
    %c0_i32 = arith.constant 0 : i32
    %c0_i32_0 = arith.constant 0 : i32
    return %arg0, %c0_i32 : i32, i32
  }
}

</mosaic_0001>

<sc_bundles>
// kernel: kernel.6.cloned.1.call-start
scs
__scs_entry_jumppad:
0x0: {  	(pc) =	sbr.rel $0x88, $3  }
0x1: {  	(tag) =	ssettag $0x0;
	lr =	simm.s32 $0x1  }
0x2: {  	[smem:$0x3F95] =	sst lr;
	_ =	strace $0xD0000000  }
0x3: {  	_ = 	snop  }
0x4: {  	_ = 	snop  }
0x5: {  	_ = 	snop  }
0x6: {  	_ = 	snop  }
0x7: {  	_ = 	snop  }
__scs_overlays_trampoline_lowered:
0x8: {  	[smem:$0x3FA4] =	sst s0  }
0x9: {  	[smem:$0x3FA5] =	sst s1  }
0xa: {  	[smem:$0x3FA6] =	sst s2  }
0xb: {  	[smem:$0x3FA7] =	sst s3  }
0xc: {  	[smem:$0x3FA8] =	sst s4  }
0xd: {  	[smem:$0x3FA9] =	sst s5  }
0xe: {  	[smem:$0x3FAA] =	sst s6  }
0xf: {  	[smem:$0x3FAB] =	sst s7  }
0x10: {  	[smem:$0x3FAC] =	sst s8  }
0x11: {  	[smem:$0x3FAD] =	sst s9;
	s0 =	simm.s32 @!p0 $0x0  }
0x12: {  	s1 =	sld [smem:$0x3F93];
	s0 =	simm.s32 @p0 $0x1  }
0x13: {  	[smem:$0x3FAE] =	sst s0;
	s0 =	simm.s32 @!p1 $0x0  }
0x14: {  	s2 =	sld [smem:$0x3F92];
	s0 =	simm.s32 @p1 $0x1  }
0x15: {  	[smem:$0x3FAF] =	sst s0;
	s0 =	simm.s32 @!p2 $0x0  }
0x16: {  	s3 =	sld [smem:$0x3FDB];
	s0 =	simm.s32 @p2 $0x1  }
0x17: {  	s4 =	simm.s32 $0x1BF5;
	[smem:$0x3FB1] =	sst s0  }
0x18: {  	s0 =	sld [smem:$0x3F94];
	_ =	swait.ge [sflag:s4], $0x0  }
0x19: {  	s7 =	sld [smem:$0x3F95]  }
0x1a: {  	s8 =	sadd.s32 $0xFFFFE003, lr  }
0x1b: {  	s9 =	sadd.s32 $0xFFFFFEF7, lr;
	s5 =	simm.s32 $0xFFFFFFFF;
	p2 =	slt.u32 s8, $0xFFFFF086  }
0x1c: {  	p1 =	slt.u32 s9, $0xF7A;
	s5 =	simm.s32 @!p2 $0x0  }
0x1d: {  	s5 =	simm.s32 @p1 $0x1;
	p0 =	seq.s32 s7, s2  }
0x1e: {  	s7 =	smul.u32 @!p0 $0xF7A, s2;
	p2 =	seq.s32 @!p0 s5, $0x0  }
0x1f: {  	s9 =	smul.u32 $0xF7A, s1;
	s8 =	simm.s32 @!p0 $0x1BF5;
	p2 =	por !p2, p0  }
0x20: {  	[sflag:s8] =	ssyncset.s32 @!p0 $0xFFFFF086;
	s6 =	sadd.s32 @!p0 s3, s7;
	s7 =	simm.s32 @!p0 $0x108  }
0x21: {  	s3 =	sadd.s32 s3, s9;
	s6 =	sadd.s32 @!p0 $0x88, s6;
	s7 =	simm.s32 @p2 $0x1082  }
0x22: {  	[simem:s7], [sflag:s8] =	dma.local @!p0 [hbm:s6], $0xF7A  }
0x23: {  	s9 =	sor.u32 $0xD0000000, s2;
	s6 =	simm.s32 $0x108;
	_ =	swait.ge @!p0 [sflag:s8], $0x0  }
0x24: {  	s3 =	sadd.s32 $0x88, s3;
	s6 =	simm.s32 @!p1 $0x1082;
	[sflag:s4] =	ssyncset.s32 $0xFFFFF086  }
0x25: {  	[simem:s6], [sflag:s4] =	dma.local [hbm:s3], $0xF7A  }
0x26: {  	[smem:$0x3F95] =	sst s1;
	(tag) =	ssettag s2;
	_ =	strace s9  }
0x27: {  	s1 =	sld [smem:$0x3FA5]  }
0x28: {  	s2 =	sld [smem:$0x3FA6]  }
0x29: {  	s4 =	sld [smem:$0x3FA8]  }
0x2a: {  	p0 =	seq.s32 s5, $0x0;
	s5 =	sld [smem:$0x3FA9]  }
0x2b: {  	s6 =	sld [smem:$0x3FAA]  }
0x2c: {  	s7 =	sld [smem:$0x3FAB]  }
0x2d: {  	s3 =	simm.s32 $0x108;
	s8 =	sld [smem:$0x3FAC]  }
0x2e: {  	s3 =	simm.s32 @!p0 $0x1082;
	s9 =	sld [smem:$0x3FAD]  }
0x2f: {  	lr =	sadd.s32 s0, s3;
	s0 =	sld [smem:$0x3FA4]  }
0x30: {  	s3 =	sld [smem:$0x3FA7]  }
0x31: {  	[smem:$0x3FB0] =	sst s10  }
0x32: {  	s10 =	sld [smem:$0x3FAE];
	_ =	sdelay $0x3  }
0x33: {  	p0 =	seq.s32 s10, $0x1;
	s10 =	sld [smem:$0x3FB0];
	_ =	sdelay $0x3  }
0x34: {  	[smem:$0x3FB0] =	sst s10  }
0x35: {  	s10 =	sld [smem:$0x3FAF];
	_ =	sdelay $0x3  }
0x36: {  	p1 =	seq.s32 s10, $0x1;
	s10 =	sld [smem:$0x3FB0];
	_ =	sdelay $0x3  }
0x37: {  	[smem:$0x3FB0] =	sst s10  }
0x38: {  	s10 =	sld [smem:$0x3FB1]  }
0x39: {  	_ = 	snop;
	(pc) =	sbr.ind lr, $3  }
0x3a: {  	_ = 	snop  }
0x3b: {  	_ = 	snop  }
0x3c: {  	p2 =	seq.s32 s10, $0x1;
	s10 =	sld [smem:$0x3FB0]  }
0x3d: {  	_ =	shalt  }
0x3e: {  	_ =	shalt  }
0x3f: {  	_ =	shalt  }
0x40: {  	_ =	shalt  }
0x41: {  	_ =	shalt  }
0x42: {  	_ =	shalt  }
0x43: {  	_ =	shalt  }
0x44: {  	_ =	shalt  }
0x45: {  	_ =	shalt  }
0x46: {  	_ =	shalt  }
0x47: {  	_ =	shalt  }
0x48: {  	_ =	shalt  }
0x49: {  	_ =	shalt  }
0x4a: {  	_ =	shalt  }
0x4b: {  	_ =	shalt  }
0x4c: {  	_ =	shalt  }
0x4d: {  	_ =	shalt  }
0x4e: {  	_ =	shalt  }
0x4f: {  	_ =	shalt  }
0x50: {  	_ =	shalt  }
0x51: {  	_ =	shalt  }
0x52: {  	_ =	shalt  }
0x53: {  	_ =	shalt  }
0x54: {  	_ =	shalt  }
0x55: {  	_ =	shalt  }
0x56: {  	_ =	shalt  }
0x57: {  	_ =	shalt  }
0x58: {  	_ =	shalt  }
0x59: {  	_ =	shalt  }
0x5a: {  	_ =	shalt  }
0x5b: {  	_ =	shalt  }
0x5c: {  	_ =	shalt  }
0x5d: {  	_ =	shalt  }
0x5e: {  	_ =	shalt  }
0x5f: {  	_ =	shalt  }
0x60: {  	_ =	shalt  }
0x61: {  	_ =	shalt  }
0x62: {  	_ =	shalt  }
0x63: {  	_ =	shalt  }
0x64: {  	_ =	shalt  }
0x65: {  	_ =	shalt  }
0x66: {  	_ =	shalt  }
0x67: {  	_ =	shalt  }
0x68: {  	_ =	shalt  }
0x69: {  	_ =	shalt  }
0x6a: {  	_ =	shalt  }
0x6b: {  	_ =	shalt  }
0x6c: {  	_ =	shalt  }
0x6d: {  	_ =	shalt  }
0x6e: {  	_ =	shalt  }
0x6f: {  	_ =	shalt  }
0x70: {  	_ =	shalt  }
0x71: {  	_ =	shalt  }
0x72: {  	_ =	shalt  }
0x73: {  	_ =	shalt  }
0x74: {  	_ =	shalt  }
0x75: {  	_ =	shalt  }
0x76: {  	_ =	shalt  }
0x77: {  	_ =	shalt  }
0x78: {  	_ =	shalt  }
0x79: {  	_ =	shalt  }
0x7a: {  	_ =	shalt  }
0x7b: {  	_ =	shalt  }
0x7c: {  	_ =	shalt  }
0x7d: {  	_ =	shalt  }
0x7e: {  	_ =	shalt  }
0x7f: {  	_ =	shalt  }
0x80: {  	_ =	shalt  }
0x81: {  	_ =	shalt  }
0x82: {  	_ =	shalt  }
0x83: {  	_ =	shalt  }
0x84: {  	_ =	shalt  }
0x85: {  	_ =	shalt  }
0x86: {  	_ =	shalt  }
0x87: {  	_ =	shalt  }
.Lfunc_end0:
.L_simem_size_0:
called_computation_lowered:
.L_overlay_start_0:
0x88: {  	s2 =	sld [smem:$0x3FD9]  }
0x89: {  	s3 =	sld [smem:$0x3FFE];
	_ =	sdelay $0x1  }
0x8a: {  	s1 =	srdreg.scid  }
0x8b: {  	s0 =	sand.u32 $0x1, s1  }
0x8c: {  	s14 =	sshll.u32 s0, $0xA;
	s2 =	sadd.s32 s3, s2  }
0x8d: {  	s2 =	sadd.s32 s2, s14  }
0x8e: {  	[smem:$0x3FBC] =	sst s2  }
0x8f: {  	_ = 	snop  }
0x90: {  	s2 =	sld [smem:$0x3FD0];
	_ =	sdelay $0x2  }
0x91: {  	s15 =	simm.s32 $0xA;
	s4 =	simm.s32 $0x10  }
0x92: {  	[smem:s4], [sflag:s15] =	dma.local [hbm:s2], $0x1  }
0x93: {  	_ =	swait.eq [sflag:s15], $0x1  }
0x94: {  	s16 =	sld [smem:$0x10];
	[sflag:s15] =	ssyncset.done $0x0  }
0x95: {  	s17 =	sld [smem:$0x11];
	[sflag:s15] =	ssyncadd.s32 $0xFFFFFFFF  }
0x96: {  	s18 =	sld [smem:$0x12];
	(tm) =	ssettm $0x1  }
0x97: {  	s5 =	sld [smem:$0x3FFB];
	_ =	sdelay $0x3  }
0x98: {  	_ =	strace s5  }
0x99: {  	s5 =	sld [smem:$0x3FFC];
	_ =	sdelay $0x3  }
0x9a: {  	_ =	strace s5  }
0x9b: {  	s5 =	sld [smem:$0x3FFD];
	_ =	sdelay $0x3  }
0x9c: {  	_ =	strace s5  }
0x9d: {  	_ =	strace $0x8FFFFFFF  }
0x9e: {  	s19 =	sld [smem:$0x3FDB];
	_ =	sdelay $0x1  }
0x9f: {  	s6 =	simm.s32 $_scs_section_size  }
0xa0: {  	s7 =	simm.s32 $_size__tile_overlayer_lowered;
	s8 =	simm.s32 $_tile_overlayer_lowered  }
0xa1: {  	s22 =	simm.s32 $0x1BFF;
	s21 =	sshll.u32 s8, $0x1;
	s5 =	sadd.s32 s6, s19  }
0xa2: {  	s9 =	simm.s32 $0x0;
	s20 =	sshll.u32 s7, $0x1;
	s7 =	sadd.s32 s21, s5  }
0xa3: {  	[timem:s9], [sflag:s22] =	dma.local [hbm:s7], s20  }
0xa4: {  	_ =	swait.ge [sflag:s22], s20  }
0xa5: {  	s6 =	ssub.s32 $0x0, s20;
	[sflag:s22] =	ssyncset.done $0x0  }
0xa6: {  	[sflag:s22] =	ssyncadd.s32 s6;
	_ =	sdelay $0x1  }
0xa7: {  	s23 =	simm.s32 $0x1B8B  }
0xa8: {  	_ =	swait.ge [sflag:s23], $0x1  }
0xa9: {  	[sflag:s23] =	ssyncset.done $0x0  }
0xaa: {  	s25 =	simm.s32 $0x1B8E;
	s24 =	sld [smem:$0x3FFE];
	[sflag:s23] =	ssyncadd.s32 $0xFFFFFFFF  }
0xab: {  	s26 =	simm.s32 $execute0_lowered;
	[smem:$0x3FD2] =	sst s25  }
0xac: {  	s7 =	sshll.u32 s26, $0x1;
	_ =	strace $0x80000046;
	[dreg:$0x1] =	wrdreg $0xFFFFFFFF  }
0xad: {  	s28 =	simm.s32 $_size_execute0_lowered;
	s5 =	sadd.s32 s5, s7;
	[dreg:$0x0] =	wrdreg $0x0  }
0xae: {  	s7 =	sshll.u32 s28, $0x1;
	[dreg:$0x2] =	wrdreg s5  }
0xaf: {  	[dreg:$0x3] =	wrdreg s7  }
0xb0: {  	[dreg:$0x4] =	wrdreg $0xC0  }
0xb1: {  	_ =	task [dreg:s9], $0x5FFFF  }
0xb2: {  	[dreg:$0x1] =	wrdreg $0xFFFFFFFF  }
0xb3: {  	[dreg:$0x0] =	wrdreg $0x60  }
0xb4: {  	[dreg:$0x2] =	wrdreg s18  }
0xb5: {  	[dreg:$0x3] =	wrdreg s16  }
0xb6: {  	[dreg:$0x4] =	wrdreg s24  }
0xb7: {  	[dreg:$0x5] =	wrdreg s17  }
0xb8: {  	[dreg:$0x6] =	wrdreg $0xDE000  }
0xb9: {  	[dreg:$0x7] =	wrdreg $0x184000  }
0xba: {  	[dreg:$0x8] =	wrdreg $0x9  }
0xbb: {  	_ =	task.clear_ibuf [dreg:s9], $0x9FFFF;
	_ =	strace $0x90000046  }
0xbc: {  	s29 =	simm.s32 $0x9;
	_ =	strace $0x80000048  }
0xbd: {  	_ =	swait.ge [sflag:s29], $0x1  }
0xbe: {  	[sflag:s29] =	ssyncadd.s32 $0xFFFFFFFF  }
0xbf: {  	_ =	strace $0x90000048  }
0xc0: {  	_ =	sfence  }
0xc1: {  	s30 =	sld [smem:$0x0];
	_ =	sdelay $0x2  }
0xc2: {  	s31 =	sshll.u32 s1, $0xD;
	s1 =	sshrl.u32 s1, $0x2  }
0xc3: {  	s3 =	sand.u32 $0x4000, s31;
	s1 =	sadd.s32 s1, s30  }
0xc4: {  	s0 =	sor.u32 s3, s0;
	s1 =	sshll.u32 s1, $0x11  }
0xc5: {  	s0 =	sor.u32 s1, s0  }
0xc6: {  	s0 =	sadd.s32 $0x8F2B, s0  }
0xc7: {  	[sflag:s0] =	ssyncadd.remote.s32 $0x1  }
0xc8: {  	_ =	sfence.sel $0xFFFF  }
0xc9: {  	[dreg:$0x0] =	wrdreg $0xFFFFFFFF;
	(pc) =	sbr.abs _section_cstart, $3  }
0xca: {  	[dreg:$0x1] =	wrdreg $0xFFFFFFFF  }
0xcb: {  	_ =	task.clear_ibuf [dreg:s9], $0x2FFFF;
	_ =	strace $0x9FFFFFFF  }
0xcc: {  	(tm) =	ssettm $0x7FFFFFFF  }
0xcd: {  	_ =	shalt  }
tec
execute0_lowered:
.L_overlay_start_1:
0x0: {  	(tag) =	ssettag $0x1  }
0x1: {  	s0 =	rddreg [dreg:$0x0]  }
0x2: {  	s1 =	rddreg [dreg:$0x1]  }
0x3: {  	s6 =	rddreg [dreg:$0x2]  }
0x4: {  	s8 =	rddreg [dreg:$0x3]  }
0x5: {  	s2 =	rddreg [dreg:$0x4]  }
0x6: {  	s3 =	rddreg [dreg:$0x5];
	s4 =	simm.s32 $0x0;
	s24 =	stileid.u32  }
0x7: {  	s7 =	srdreg.scid;
	s29 =	simm.s32 $0x4;
	s30 =	simm.s32 $0xBE00  }
0x8: {  	s31 =	simm.s32 $0x1;
	[smem:$0x7FF] =	sst s4;
	s9 =	smul.u32 $0x9E0, s24  }
0x9: {  	s5 =	sadd.s32 $0xD000, s6;
	s12 =	sand.u32 $0x1, s7;
	s15 =	smul.u32 $0x278, s24  }
0xa: {  	s16 =	sadd.s32 $0xCE00, s6;
	s7 =	sadd.s32 $0xCC00, s6;
	s17 =	smul.u32 $0x27800, s24  }
0xb: {  	s22 =	smul.u32 $0x13C00, s24;
	p2 =	seq.s32 s24, $0xF;
	_ =	strace $0x80000047  }
0xc: {  	[dreg:$0x7] =	wrdreg s16;
	s11 =	smul.u32 $0x4E20, s12;
	s13 =	ssub.s32 $0x2, s12  }
0xd: {  	s23 =	smul.u32 $0x13880, s12;
	s26 =	sshll.u32 s12, $0x3;
	p0 =	sne.s32 s12, $0x0  }
0xe: {  	p1 =	seq.s32 s12, $0x0;
	s10 =	sadd.s32 s9, s6;
	s14 =	sshrl.u32 s13, $0x1  }
0xf: {  	s1 =	sadd.s32 s1, s9;
	s19 =	sshrl.u32 s17, $0x2;
	s6 =	sadd.s32 s11, s6  }
0x10: {  	s16 =	ssub.s32 s13, s14;
	[dreg:$0x8] =	wrdreg s1;
	s18 =	sadd.s32 $0x2E00, s10  }
0x11: {  	s1 =	sadd.s32 $0x80, s15;
	s14 =	sadd.s32 $0x100, s15;
	s10 =	sadd.s32 s19, s2  }
0x12: {  	s19 =	sshll.u32 s12, $0x6;
	s11 =	sadd.s32 s0, s23;
	[dreg:$0x9] =	wrdreg s18  }
0x13: {  	s20 =	sshll.u32 s1, $0x6;
	s21 =	sshll.u32 s14, $0x6;
	s18 =	sadd.s32 $0x180, s15  }
0x14: {  	s15 =	sadd.s32 $0x200, s15;
	s19 =	sor.u32 s19, s22;
	s22 =	smul.u32 $0x2780, s24  }
0x15: {  	s1 =	sshll.u32 s1, $0x4;
	s16 =	smax.u32 s16, $0x1;
	s9 =	sadd.s32 s20, s2  }
0x16: {  	s17 =	sadd.s32 s21, s2;
	s20 =	sshll.u32 s18, $0x6;
	s21 =	sshll.u32 s15, $0x6  }
0x17: {  	s25 =	sshrl.u32 s19, $0x3;
	s19 =	sadd.s32 s26, s8;
	s1 =	sadd.s32 s1, s3  }
0x18: {  	s26 =	sshll.u32 s18, $0x4;
	s15 =	sshll.u32 s15, $0x4;
	[dreg:$0xc] =	wrdreg s16  }
0x19: {  	s0 =	sadd.s32 s8, s25;
	s23 =	sadd.s32 s20, s2;
	s20 =	sadd.s32 s21, s2  }
0x1a: {  	s13 =	sadd.s32 s22, s3;
	s25 =	sshll.u32 s14, $0x4;
	s18 =	sadd.s32 s26, s3  }
0x1b: {  	s15 =	sadd.s32 s15, s3;
	s14 =	sadd.s32 $0xD400, s6;
	s6 =	sshrl.u32 s22, $0x3  }
0x1c: {  	s21 =	sshrl.u32 s9, $0x3;
	s22 =	sshrl.u32 s17, $0x3;
	s26 =	sshrl.u32 s1, $0x3  }
0x1d: {  	s1 =	sadd.s32 $0x25080, s3;
	s8 =	simm.s32 $0x3;
	[dreg:$0xa] =	wrdreg s0  }
0x1e: {  	s9 =	simm.s32 $0x0;
	s12 =	sadd.s32 s25, s3;
	[dreg:$0xd] =	wrdreg s21  }
0x1f: {  	s0 =	sadd.s32 $0x25080, s19;
	[dreg:$0xe] =	wrdreg s22;
	s23 =	sshrl.u32 s23, $0x3  }
0x20: {  	s25 =	sshrl.u32 s20, $0x3;
	[dreg:$0x11] =	wrdreg s26;
	s24 =	sshrl.u32 s15, $0x3  }
0x21: {  	s26 =	sshrl.u32 @p2 s1, $0x3;
	s28 =	sadd.s32 @!p2 s6, s14;
	[dreg:$0xb] =	wrdreg s0  }
0x22: {  	s1 =	simm.s32 $0x9E00;
	s6 =	simm.s32 $0x2;
	[dreg:$0xf] =	wrdreg s23  }
0x23: {  	[dreg:$0x10] =	wrdreg s25;
	s22 =	sshrl.u32 s12, $0x3;
	s0 =	sadd.s32 $0x94200, s2  }
0x24: {  	s23 =	sshrl.u32 s18, $0x3;
	s25 =	sshrl.u32 @p2 s0, $0x3;
	s0 =	simm.s32 $0x80  }
.LBB2_1:
0x25: {  	s12 =	rddreg [dreg:$0x8]  }
0x26: {  	[tilespmem:s4], [sflag:$0x4] =	stream.linear.gather [hbm4b:s12+s4], $0x4F00, $0x38;
	[tilespmem:$0x1AB80] =	vst v63  }
0x27: {  	_ =	swait.ge [sflag:s29], $0x4F00  }
0x28: {  	[sflag:s29] =	ssyncset.done $0x0  }
0x29: {  	s15 =	simm.s32 $0x4F00;
	s17 =	rddreg [dreg:$0x9];
	[sflag:s29] =	ssyncadd.s32 $0xFFFFB100  }
0x2a: {  	[tilespmem:s15], [sflag:$0x4] =	stream.linear.gather [hbm4b:s17+s4], $0x4F00, $0x38;
	[tilespmem:$0x1AB80] =	vst v63  }
0x2b: {  	s18 =	stileid.u32;
	_ =	swait.ge [sflag:s29], $0x4F00  }
0x2c: {  	s12 =	sshll.u32 s18, $0x6;
	[sflag:s29] =	ssyncset.done $0x0  }
0x2d: {  	s19 =	sshrl.u32 s10, $0x3;
	s12 =	sor.u32 $0x1C04, s12;
	[sflag:s29] =	ssyncadd.s32 $0xFFFFB100  }
0x2e: {  	[spmem:s19], [sflag:s12] =	dma.local [hbm:s5], $0x400  }
0x2f: {  	_ =	swait.ge [sflag:s29], $0x400  }
0x30: {  	[sflag:s29] =	ssyncset.done $0x0  }
0x31: {  	s20 =	rddreg [dreg:$0xd];
	[sflag:s29] =	ssyncadd.s32 $0xFFFFFC00  }
0x32: {  	[spmem:s20], [sflag:s12] =	dma.local [hbm:s5], $0x400  }
0x33: {  	_ =	swait.ge [sflag:s29], $0x400  }
0x34: {  	[sflag:s29] =	ssyncset.done $0x0  }
0x35: {  	s21 =	rddreg [dreg:$0xe];
	[sflag:s29] =	ssyncadd.s32 $0xFFFFFC00  }
0x36: {  	[spmem:s21], [sflag:s12] =	dma.local [hbm:s5], $0x400  }
0x37: {  	_ =	swait.ge [sflag:s29], $0x400  }
0x38: {  	[sflag:s29] =	ssyncset.done $0x0  }
0x39: {  	s16 =	rddreg [dreg:$0xf];
	[sflag:s29] =	ssyncadd.s32 $0xFFFFFC00  }
0x3a: {  	[spmem:s16], [sflag:s12] =	dma.local [hbm:s5], $0x400  }
0x3b: {  	_ =	swait.ge [sflag:s29], $0x400  }
0x3c: {  	[sflag:s29] =	ssyncset.done $0x0  }
0x3d: {  	s17 =	rddreg [dreg:$0x10];
	[sflag:s29] =	ssyncadd.s32 $0xFFFFFC00  }
0x3e: {  	[spmem:s17], [sflag:s12] =	dma.local [hbm:s5], $0x3C0  }
0x3f: {  	_ =	swait.ge [sflag:s29], $0x3C0  }
0x40: {  	[sflag:s29] =	ssyncset.done $0x0  }
0x41: {  	s16 =	simm.s32 $0x17C00;
	s18 =	rddreg [dreg:$0x7];
	[sflag:s29] =	ssyncadd.s32 $0xFFFFFC40  }
0x42: {  	[tilespmem:s16], [sflag:$0x4] =	stream.linear.gather [hbm4b:s18+s4], $0x800, $0x38;
	[tilespmem:$0x1AB80] =	vst v63  }
0x43: {  	_ =	swait.ge [sflag:s29], $0x800  }
0x44: {  	[sflag:s29] =	ssyncset.done $0x0  }
0x45: {  	s19 =	sshrl.u32 s13, $0x3;
	[sflag:s29] =	ssyncadd.s32 $0xFFFFF800  }
0x46: {  	[spmem:s19], [sflag:s12] =	dma.local [hbm:s7], $0x100  }
0x47: {  	_ =	swait.ge [sflag:s29], $0x100  }
0x48: {  	[sflag:s29] =	ssyncset.done $0x0  }
0x49: {  	s20 =	rddreg [dreg:$0x11];
	[sflag:s29] =	ssyncadd.s32 $0xFFFFFF00  }
0x4a: {  	[spmem:s20], [sflag:s12] =	dma.local [hbm:s7], $0x100  }
0x4b: {  	_ =	swait.ge [sflag:s29], $0x100  }
0x4c: {  	[sflag:s29] =	ssyncset.done $0x0  }
0x4d: {  	[sflag:s29] =	ssyncadd.s32 $0xFFFFFF00  }
0x4e: {  	[spmem:s22], [sflag:s12] =	dma.local [hbm:s7], $0x100  }
0x4f: {  	_ =	swait.ge [sflag:s29], $0x100  }
0x50: {  	[sflag:s29] =	ssyncset.done $0x0  }
0x51: {  	[sflag:s29] =	ssyncadd.s32 $0xFFFFFF00  }
0x52: {  	[spmem:s23], [sflag:s12] =	dma.local [hbm:s7], $0x100  }
0x53: {  	_ =	swait.ge [sflag:s29], $0x100  }
0x54: {  	[sflag:s29] =	ssyncset.done $0x0  }
0x55: {  	[sflag:s29] =	ssyncadd.s32 $0xFFFFFF00  }
0x56: {  	[spmem:s24], [sflag:s12] =	dma.local [hbm:s7], $0xF0  }
0x57: {  	_ =	swait.ge [sflag:s29], $0xF0  }
0x58: {  	[sflag:s29] =	ssyncset.done $0x0  }
0x59: {  	[sflag:s29] =	ssyncadd.s32 $0xFFFFFF10  }
0x5a: {  	[bflag:$0x0] =	sbarrier.arrive $0xFFFF  }
0x5b: {  	[tilespmem:s1], [sflag:$0x1] =	stream.indirect.gather [hbm4b:s11+s0], $0x40, s4, s0, $0xb8;
	[tilespmem:$0x1AB80] =	vst v63  }
0x5c: {  	_ = 	snop  }
0x5d: {  	[tilespmem:s30], [sflag:$0x2] =	stream.indirect.gather [hbm4b:s11+s0], $0x40, s0, s0, $0xb8;
	[tilespmem:$0x1AB80] =	vst v63  }
0x5e: {  	_ =	swait.ge [sflag:s31], $0x2000  }
0x5f: {  	[sflag:s31] =	ssyncset.done $0x0  }
0x60: {  	s17 =	simm.s32 $0x4F00;
	[sflag:s31] =	ssyncadd.s32 $0xFFFFE000  }
0x61: {  	[spmem:s2] =	stream.indirect.scatter.add.f32 [tilespmem:s1], [sflag:$0x4], $0x40, s17, s0, $0xb8;
	[tilespmem:$0x1AB80] =	vst v63  }
0x62: {  	_ =	swait.ge [sflag:s29], $0x2000  }
0x63: {  	[sflag:s29] =	ssyncset.done $0x0  }
0x64: {  	s15 =	simm.s32 @!p0 $0x80;
	s16 =	simm.s32 @!p0 $0x17C00;
	[sflag:s29] =	ssyncadd.s32 $0xFFFFE000  }
0x65: {  	[spmem:s3] =	stream.indirect.scatter.add.f32 @!p0 [tilespmem:s16], [sflag:$0x3], $0x10, s17, s15, $0xb8;
	[tilespmem:$0x1AB80] =	vst v63  }
0x66: {  	s21 =	simm.s32 $0x100  }
0x67: {  	[tilespmem:s1], [sflag:$0x1] =	stream.indirect.gather [hbm4b:s11+s0], $0x40, s21, s0, $0xb8;
	[tilespmem:$0x1AB80] =	vst v63  }
0x68: {  	_ =	swait.ge [sflag:s6], $0x2000  }
0x69: {  	[sflag:s6] =	ssyncset.done $0x0  }
0x6a: {  	s19 =	simm.s32 $0x4F80;
	[sflag:s6] =	ssyncadd.s32 $0xFFFFE000  }
0x6b: {  	[spmem:s2] =	stream.indirect.scatter.add.f32 [tilespmem:s30], [sflag:$0x4], $0x40, s19, s0, $0xb8;
	[tilespmem:$0x1AB80] =	vst v63  }
0x6c: {  	_ =	swait.ge [sflag:s29], $0x2000  }
0x6d: {  	[sflag:s29] =	ssyncset.done $0x0  }
0x6e: {  	s18 =	simm.s32 @!p1 $0x17C00;
	s17 =	simm.s32 @!p1 $0x80;
	[sflag:s29] =	ssyncadd.s32 $0xFFFFE000  }
0x6f: {  	[spmem:s3] =	stream.indirect.scatter.add.f32 @!p1 [tilespmem:s18], [sflag:$0x3], $0x10, s19, s17, $0xb8;
	[tilespmem:$0x1AB80] =	vst v63  }
0x70: {  	s20 =	simm.s32 $0x180;
	s19 =	simm.s32 $0x400  }
.LBB2_2:
0x71: {  	[tilespmem:s30], [sflag:$0x2] =	stream.indirect.gather [hbm4b:s11+s0], $0x40, s20, s0, $0xb8;
	[tilespmem:$0x1AB80] =	vst v63  }
0x72: {  	s20 =	smov.u32 s19;
	s19 =	sadd.s32 $0x400, s19;
	_ =	swait.ge [sflag:s31], $0x2000  }
0x73: {  	s20 =	sshra.s32 s20, $0x2;
	p3 =	sne.s32 s19, $0x13800;
	[sflag:s31] =	ssyncset.done $0x0  }
0x74: {  	s21 =	sadd.s32 $0x4F00, s20;
	[sflag:s31] =	ssyncadd.s32 $0xFFFFE000  }
0x75: {  	[spmem:s2] =	stream.indirect.scatter.add.f32 [tilespmem:s1], [sflag:$0x4], $0x40, s21, s0, $0xb8;
	[tilespmem:$0x1AB80] =	vst v63  }
0x76: {  	_ =	swait.ge [sflag:s29], $0x2000  }
0x77: {  	[sflag:s29] =	ssyncset.done $0x0  }
0x78: {  	[sflag:s29] =	ssyncadd.s32 $0xFFFFE000  }
0x79: {  	[spmem:s3] =	stream.indirect.scatter.add.f32 @!p0 [tilespmem:s16], [sflag:$0x3], $0x10, s21, s15, $0xb8;
	[tilespmem:$0x1AB80] =	vst v63  }
0x7a: {  	s21 =	sadd.s32 $0x100, s20  }
0x7b: {  	[tilespmem:s1], [sflag:$0x1] =	stream.indirect.gather [hbm4b:s11+s0], $0x40, s21, s0, $0xb8;
	[tilespmem:$0x1AB80] =	vst v63  }
0x7c: {  	_ =	swait.ge [sflag:s6], $0x2000  }
0x7d: {  	[sflag:s6] =	ssyncset.done $0x0  }
0x7e: {  	s21 =	sadd.s32 $0x4F80, s20;
	[sflag:s6] =	ssyncadd.s32 $0xFFFFE000  }
0x7f: {  	[spmem:s2] =	stream.indirect.scatter.add.f32 [tilespmem:s30], [sflag:$0x4], $0x40, s21, s0, $0xb8;
	[tilespmem:$0x1AB80] =	vst v63  }
.Ltmp0:
0x80: {  	_ =	swait.ge [sflag:s29], $0x2000;
	(pc) =	sbr.rel @p3 .LBB2_2-.Ltmp0, $4  }
0x81: {  	[sflag:s29] =	ssyncset.done $0x0  }
0x82: {  	[sflag:s29] =	ssyncadd.s32 $0xFFFFE000  }
0x83: {  	[spmem:s3] =	stream.indirect.scatter.add.f32 @!p1 [tilespmem:s18], [sflag:$0x3], $0x10, s21, s17, $0xb8;
	[tilespmem:$0x1AB80] =	vst v63  }
0x84: {  	s20 =	sadd.s32 $0x180, s20  }
0x85: {  	[tilespmem:s30], [sflag:$0x2] =	stream.indirect.gather [hbm4b:s11+s0], $0x40, s20, s0, $0xb8;
	[tilespmem:$0x1AB80] =	vst v63  }
0x86: {  	_ =	swait.ge [sflag:s31], $0x2000  }
0x87: {  	[sflag:s31] =	ssyncset.done $0x0  }
0x88: {  	s17 =	simm.s32 $0x9D00;
	[sflag:s31] =	ssyncadd.s32 $0xFFFFE000  }
0x89: {  	[spmem:s2] =	stream.indirect.scatter.add.f32 [tilespmem:s1], [sflag:$0x4], $0x40, s17, s0, $0xb8;
	[tilespmem:$0x1AB80] =	vst v63  }
0x8a: {  	_ =	swait.ge [sflag:s29], $0x2000  }
0x8b: {  	[sflag:s29] =	ssyncset.done $0x0  }
0x8c: {  	s17 =	simm.s32 @p0 $0x2;
	[sflag:s29] =	ssyncadd.s32 $0xFFFFE000  }
0x8d: {  	_ =	swait.ge @p0 [sflag:s17], $0x2000  }
0x8e: {  	s18 =	simm.s32 @p0 $0x9D80;
	[sflag:s17] =	ssyncset.done @p0 $0x0  }
0x8f: {  	s19 =	simm.s32 @p0 $0xBE00;
	[sflag:s17] =	ssyncadd.s32 @p0 $0xFFFFE000;
	s17 =	simm.s32 @p0 $0x80  }
0x90: {  	[spmem:s2] =	stream.indirect.scatter.add.f32 @p0 [tilespmem:s19], [sflag:$0x4], $0x40, s18, s17, $0xb8;
	[tilespmem:$0x1AB80] =	vst v63  }
0x91: {  	s19 =	simm.s32 @p0 $0x4  }
0x92: {  	_ =	swait.ge @p0 [sflag:s19], $0x2000  }
0x93: {  	[sflag:s19] =	ssyncset.done @p0 $0x0  }
0x94: {  	[sflag:s19] =	ssyncadd.s32 @p0 $0xFFFFE000;
	s19 =	simm.s32 @p0 $0x17C00  }
0x95: {  	[spmem:s3] =	stream.indirect.scatter.add.f32 @p0 [tilespmem:s19], [sflag:$0x3], $0x10, s18, s17, $0xb8;
	[tilespmem:$0x1AB80] =	vst v63  }
0x96: {  	s17 =	simm.s32 @!p0 $0x9D00  }
0x97: {  	[spmem:s3] =	stream.indirect.scatter.add.f32 @!p0 [tilespmem:s16], [sflag:$0x3], $0x10, s17, s15, $0xb8;
	[tilespmem:$0x1AB80] =	vst v63  }
0x98: {  	s16 =	simm.s32 @!p0 $0x2  }
0x99: {  	_ =	swait.ge @!p0 [sflag:s16], $0x2000  }
0x9a: {  	[sflag:s16] =	ssyncset.done @!p0 $0x0  }
0x9b: {  	s17 =	simm.s32 @!p0 $0xBE00;
	[sflag:s16] =	ssyncadd.s32 @!p0 $0xFFFFE000;
	s16 =	simm.s32 @!p0 $0x9D80  }
0x9c: {  	[spmem:s2] =	stream.indirect.scatter.add.f32 @!p0 [tilespmem:s17], [sflag:$0x4], $0x40, s16, s15, $0xb8;
	[tilespmem:$0x1AB80] =	vst v63  }
0x9d: {  	s15 =	simm.s32 @!p0 $0x4  }
0x9e: {  	_ =	swait.ge @!p0 [sflag:s15], $0x2000  }
0x9f: {  	[sflag:s15] =	ssyncset.done @!p0 $0x0  }
0xa0: {  	[sflag:s15] =	ssyncadd.s32 @!p0 $0xFFFFE000  }
0xa1: {  	_ =	swait.ge [sflag:s8], $0x800  }
0xa2: {  	s15 =	simm.s32 $0x4E;
	[sflag:s8] =	ssyncset.done $0x0  }
.LBB2_4:
0xa3: {  	p3 =	sne.s32 s15, $0x1;
	s15 =	sadd.s32 $0xFFFFFFFF, s15;
	[sflag:s8] =	ssyncadd.s32 $0xFFFFF800  }
.Ltmp1:
0xa4: {  	(pc) =	sbr.rel @p3 .LBB2_4-.Ltmp1, $3  }
0xa5: {  	_ =	sdelay $0x1  }
0xa6: {  	_ =	swait.ge [sflag:s8], $0x800  }
0xa7: {  	[sflag:s8] =	ssyncset.done $0x0  }
0xa8: {  	[sflag:s8] =	ssyncadd.s32 $0xFFFFF800  }
0xa9: {  	s15 =	simm.s32 @p2 $0x1;
	[bflag:$0x0] =	sbarrier.arrive $0xFFFF  }
0xaa: {  	s16 =	simm.s32 @p2 $0x10;
	s17 =	simm.s32 @p2 $0x8;
	s18 =	rddreg [dreg:$0xb]  }
0xab: {  	[hbm:s18@s16], [sflag:s12] =	dma.strided @p2 [spmem:s25@s17], $0x1040, s15, $0x8   }
0xac: {  	s15 =	simm.s32 @p2 $0x4  }
0xad: {  	_ =	swait.ge @p2 [sflag:s15], $0x1040  }
0xae: {  	[sflag:s15] =	ssyncset.done @p2 $0x0  }
0xaf: {  	s16 =	sadd.s32 @p2 $0x4A10, s14;
	[sflag:s15] =	ssyncadd.s32 @p2 $0xFFFFEFC0  }
0xb0: {  	[hbm:s16], [sflag:s12] =	dma.local @p2 [spmem:s26], $0x410  }
0xb1: {  	s17 =	simm.s32 @!p2 $0x10;
	_ =	swait.ge @p2 [sflag:s15], $0x410  }
0xb2: {  	s18 =	simm.s32 @!p2 $0x8;
	s16 =	simm.s32 @!p2 $0x1;
	[sflag:s15] =	ssyncset.done @p2 $0x0  }
0xb3: {  	s19 =	rddreg [dreg:$0xa];
	[sflag:s15] =	ssyncadd.s32 @p2 $0xFFFFFBF0;
	s15 =	sshrl.u32 @!p2 s10, $0x3  }
0xb4: {  	[hbm:s19@s17], [sflag:s12] =	dma.strided @!p2 [spmem:s15@s18], $0x13C0, s16, $0x8   }
0xb5: {  	s15 =	simm.s32 @!p2 $0x4  }
0xb6: {  	_ =	swait.ge @!p2 [sflag:s15], $0x13C0  }
0xb7: {  	[sflag:s15] =	ssyncset.done @!p2 $0x0  }
0xb8: {  	s16 =	sshrl.u32 @!p2 s13, $0x3;
	[sflag:s15] =	ssyncadd.s32 @!p2 $0xFFFFEC40  }
0xb9: {  	[hbm:s28], [sflag:s12] =	dma.local @!p2 [spmem:s16], $0x4F0  }
0xba: {  	_ =	swait.ge @!p2 [sflag:s15], $0x4F0  }
0xbb: {  	s9 =	sadd.s32 $0x1, s9;
	s21 =	rddreg [dreg:$0xc]  }
0xbc: {  	p3 =	sne.s32 s9, s21  }
.Ltmp2:
0xbd: {  	_ = 	snop;
	(pc) =	sbr.rel @p3 .LBB2_1-.Ltmp2, $3  }
0xbe: {  	_ =	sdelay $0x1  }
0xbf: {  	[sflag:s15] =	ssyncset.done @!p2 $0x0  }
0xc0: {  	[sflag:s15] =	ssyncadd.s32 @!p2 $0xFFFFFB10  }
0xc1: {  	_ =	sfence.sel $0x180000  }
0xc2: {  	[bflag:$0x0] =	sbarrier.arrive $0xFFFF  }
0xc3: {  	_ =	strace $0x90000047  }
0xc4: {  	s0 =	stileid.u32;
	[bflag:$0x2] =	sbarrier.arrive $0xFFFF  }
0xc5: {  	p0 =	sne.s32 s0, $0x0;
	s0 =	rddreg [dreg:$0x6]  }
0xc6: {  	s0 =	sadd.s32 @!p0 $0x100000, s0  }
0xc7: {  	[sflag:s0] =	ssyncadd.tile.s32 @!p0 $0x1;
	_ =	shalt  }
.Lfunc_end2:
_tile_overlayer_lowered:
.L_overlay_start_2:
0xc8: {  	(tag) =	ssettag $0x2  }
0xc9: {  	s0 =	rddreg [dreg:$0x0];
	s2 =	stileid.u32  }
0xca: {  	s1 =	rddreg [dreg:$0x1];
	p0 =	sne.s32 s2, $0x0  }
0xcb: {  	s3 =	rddreg [dreg:$0x2];
	[bflag:$0x3] =	sbarrier.arrive $0xFFFF;
	s2 =	simm.s32 @!p0 $0x1C04  }
0xcc: {  	[timem:s3], [sflag:s2] =	dma.local @!p0 [hbm:s0], s1  }
0xcd: {  	s0 =	simm.s32 @!p0 $0x4  }
0xce: {  	_ =	swait.ge @!p0 [sflag:s0], s1  }
0xcf: {  	s1 =	ssub.s32 @!p0 $0x0, s1;
	[sflag:s0] =	ssyncset.done @!p0 $0x0  }
0xd0: {  	[sflag:s0] =	ssyncadd.s32 @!p0 s1  }
0xd1: {  	[bflag:$0x3] =	sbarrier.arrive $0xFFFF  }
0xd2: {  	_ =	shalt  }

// kernel: kernel.9.cloned.1.call-start
scs
__scs_entry_jumppad:
0x0: {  	(pc) =	sbr.rel $0x88, $3  }
0x1: {  	(tag) =	ssettag $0x0;
	lr =	simm.s32 $0x1  }
0x2: {  	[smem:$0x3F95] =	sst lr;
	_ =	strace $0xD0000000  }
0x3: {  	_ = 	snop  }
0x4: {  	_ = 	snop  }
0x5: {  	_ = 	snop  }
0x6: {  	_ = 	snop  }
0x7: {  	_ = 	snop  }
__scs_overlays_trampoline_lowered:
0x8: {  	[smem:$0x3FA4] =	sst s0  }
0x9: {  	[smem:$0x3FA5] =	sst s1  }
0xa: {  	[smem:$0x3FA6] =	sst s2  }
0xb: {  	[smem:$0x3FA7] =	sst s3  }
0xc: {  	[smem:$0x3FA8] =	sst s4  }
0xd: {  	[smem:$0x3FA9] =	sst s5  }
0xe: {  	[smem:$0x3FAA] =	sst s6  }
0xf: {  	[smem:$0x3FAB] =	sst s7  }
0x10: {  	[smem:$0x3FAC] =	sst s8  }
0x11: {  	[smem:$0x3FAD] =	sst s9;
	s0 =	simm.s32 @!p0 $0x0  }
0x12: {  	s1 =	sld [smem:$0x3F93];
	s0 =	simm.s32 @p0 $0x1  }
0x13: {  	[smem:$0x3FAE] =	sst s0;
	s0 =	simm.s32 @!p1 $0x0  }
0x14: {  	s2 =	sld [smem:$0x3F92];
	s0 =	simm.s32 @p1 $0x1  }
0x15: {  	[smem:$0x3FAF] =	sst s0;
	s0 =	simm.s32 @!p2 $0x0  }
0x16: {  	s3 =	sld [smem:$0x3FDB];
	s0 =	simm.s32 @p2 $0x1  }
0x17: {  	s4 =	simm.s32 $0x1BF5;
	[smem:$0x3FB1] =	sst s0  }
0x18: {  	s0 =	sld [smem:$0x3F94];
	_ =	swait.ge [sflag:s4], $0x0  }
0x19: {  	s7 =	sld [smem:$0x3F95]  }
0x1a: {  	s8 =	sadd.s32 $0xFFFFE003, lr  }
0x1b: {  	s9 =	sadd.s32 $0xFFFFFEF7, lr;
	s5 =	simm.s32 $0xFFFFFFFF;
	p2 =	slt.u32 s8, $0xFFFFF086  }
0x1c: {  	p1 =	slt.u32 s9, $0xF7A;
	s5 =	simm.s32 @!p2 $0x0  }
0x1d: {  	s5 =	simm.s32 @p1 $0x1;
	p0 =	seq.s32 s7, s2  }
0x1e: {  	s7 =	smul.u32 @!p0 $0xF7A, s2;
	p2 =	seq.s32 @!p0 s5, $0x0  }
0x1f: {  	s9 =	smul.u32 $0xF7A, s1;
	s8 =	simm.s32 @!p0 $0x1BF5;
	p2 =	por !p2, p0  }
0x20: {  	[sflag:s8] =	ssyncset.s32 @!p0 $0xFFFFF086;
	s6 =	sadd.s32 @!p0 s3, s7;
	s7 =	simm.s32 @!p0 $0x108  }
0x21: {  	s3 =	sadd.s32 s3, s9;
	s6 =	sadd.s32 @!p0 $0x88, s6;
	s7 =	simm.s32 @p2 $0x1082  }
0x22: {  	[simem:s7], [sflag:s8] =	dma.local @!p0 [hbm:s6], $0xF7A  }
0x23: {  	s9 =	sor.u32 $0xD0000000, s2;
	s6 =	simm.s32 $0x108;
	_ =	swait.ge @!p0 [sflag:s8], $0x0  }
0x24: {  	s3 =	sadd.s32 $0x88, s3;
	s6 =	simm.s32 @!p1 $0x1082;
	[sflag:s4] =	ssyncset.s32 $0xFFFFF086  }
0x25: {  	[simem:s6], [sflag:s4] =	dma.local [hbm:s3], $0xF7A  }
0x26: {  	[smem:$0x3F95] =	sst s1;
	(tag) =	ssettag s2;
	_ =	strace s9  }
0x27: {  	s1 =	sld [smem:$0x3FA5]  }
0x28: {  	s2 =	sld [smem:$0x3FA6]  }
0x29: {  	s4 =	sld [smem:$0x3FA8]  }
0x2a: {  	p0 =	seq.s32 s5, $0x0;
	s5 =	sld [smem:$0x3FA9]  }
0x2b: {  	s6 =	sld [smem:$0x3FAA]  }
0x2c: {  	s7 =	sld [smem:$0x3FAB]  }
0x2d: {  	s3 =	simm.s32 $0x108;
	s8 =	sld [smem:$0x3FAC]  }
0x2e: {  	s3 =	simm.s32 @!p0 $0x1082;
	s9 =	sld [smem:$0x3FAD]  }
0x2f: {  	lr =	sadd.s32 s0, s3;
	s0 =	sld [smem:$0x3FA4]  }
0x30: {  	s3 =	sld [smem:$0x3FA7]  }
0x31: {  	[smem:$0x3FB0] =	sst s10  }
0x32: {  	s10 =	sld [smem:$0x3FAE];
	_ =	sdelay $0x3  }
0x33: {  	p0 =	seq.s32 s10, $0x1;
	s10 =	sld [smem:$0x3FB0];
	_ =	sdelay $0x3  }
0x34: {  	[smem:$0x3FB0] =	sst s10  }
0x35: {  	s10 =	sld [smem:$0x3FAF];
	_ =	sdelay $0x3  }
0x36: {  	p1 =	seq.s32 s10, $0x1;
	s10 =	sld [smem:$0x3FB0];
	_ =	sdelay $0x3  }
0x37: {  	[smem:$0x3FB0] =	sst s10  }
0x38: {  	s10 =	sld [smem:$0x3FB1]  }
0x39: {  	_ = 	snop;
	(pc) =	sbr.ind lr, $3  }
0x3a: {  	_ = 	snop  }
0x3b: {  	_ = 	snop  }
0x3c: {  	p2 =	seq.s32 s10, $0x1;
	s10 =	sld [smem:$0x3FB0]  }
0x3d: {  	_ =	shalt  }
0x3e: {  	_ =	shalt  }
0x3f: {  	_ =	shalt  }
0x40: {  	_ =	shalt  }
0x41: {  	_ =	shalt  }
0x42: {  	_ =	shalt  }
0x43: {  	_ =	shalt  }
0x44: {  	_ =	shalt  }
0x45: {  	_ =	shalt  }
0x46: {  	_ =	shalt  }
0x47: {  	_ =	shalt  }
0x48: {  	_ =	shalt  }
0x49: {  	_ =	shalt  }
0x4a: {  	_ =	shalt  }
0x4b: {  	_ =	shalt  }
0x4c: {  	_ =	shalt  }
0x4d: {  	_ =	shalt  }
0x4e: {  	_ =	shalt  }
0x4f: {  	_ =	shalt  }
0x50: {  	_ =	shalt  }
0x51: {  	_ =	shalt  }
0x52: {  	_ =	shalt  }
0x53: {  	_ =	shalt  }
0x54: {  	_ =	shalt  }
0x55: {  	_ =	shalt  }
0x56: {  	_ =	shalt  }
0x57: {  	_ =	shalt  }
0x58: {  	_ =	shalt  }
0x59: {  	_ =	shalt  }
0x5a: {  	_ =	shalt  }
0x5b: {  	_ =	shalt  }
0x5c: {  	_ =	shalt  }
0x5d: {  	_ =	shalt  }
0x5e: {  	_ =	shalt  }
0x5f: {  	_ =	shalt  }
0x60: {  	_ =	shalt  }
0x61: {  	_ =	shalt  }
0x62: {  	_ =	shalt  }
0x63: {  	_ =	shalt  }
0x64: {  	_ =	shalt  }
0x65: {  	_ =	shalt  }
0x66: {  	_ =	shalt  }
0x67: {  	_ =	shalt  }
0x68: {  	_ =	shalt  }
0x69: {  	_ =	shalt  }
0x6a: {  	_ =	shalt  }
0x6b: {  	_ =	shalt  }
0x6c: {  	_ =	shalt  }
0x6d: {  	_ =	shalt  }
0x6e: {  	_ =	shalt  }
0x6f: {  	_ =	shalt  }
0x70: {  	_ =	shalt  }
0x71: {  	_ =	shalt  }
0x72: {  	_ =	shalt  }
0x73: {  	_ =	shalt  }
0x74: {  	_ =	shalt  }
0x75: {  	_ =	shalt  }
0x76: {  	_ =	shalt  }
0x77: {  	_ =	shalt  }
0x78: {  	_ =	shalt  }
0x79: {  	_ =	shalt  }
0x7a: {  	_ =	shalt  }
0x7b: {  	_ =	shalt  }
0x7c: {  	_ =	shalt  }
0x7d: {  	_ =	shalt  }
0x7e: {  	_ =	shalt  }
0x7f: {  	_ =	shalt  }
0x80: {  	_ =	shalt  }
0x81: {  	_ =	shalt  }
0x82: {  	_ =	shalt  }
0x83: {  	_ =	shalt  }
0x84: {  	_ =	shalt  }
0x85: {  	_ =	shalt  }
0x86: {  	_ =	shalt  }
0x87: {  	_ =	shalt  }
.Lfunc_end0:
.L_simem_size_0:
called_computation.1_lowered:
.L_overlay_start_0:
0x88: {  	s2 =	sld [smem:$0x3FD9]  }
0x89: {  	s3 =	sld [smem:$0x3FFE];
	_ =	sdelay $0x1  }
0x8a: {  	s1 =	srdreg.scid  }
0x8b: {  	s0 =	sand.u32 $0x1, s1  }
0x8c: {  	s14 =	sshll.u32 s0, $0xA;
	s2 =	sadd.s32 s3, s2  }
0x8d: {  	s2 =	sadd.s32 s2, s14  }
0x8e: {  	[smem:$0x3FBC] =	sst s2  }
0x8f: {  	_ = 	snop  }
0x90: {  	s2 =	sld [smem:$0x3FD0];
	_ =	sdelay $0x2  }
0x91: {  	s15 =	simm.s32 $0xA;
	s4 =	simm.s32 $0x10  }
0x92: {  	[smem:s4], [sflag:s15] =	dma.local [hbm:s2], $0x1  }
0x93: {  	_ =	swait.eq [sflag:s15], $0x1  }
0x94: {  	s16 =	sld [smem:$0x10];
	[sflag:s15] =	ssyncset.done $0x0  }
0x95: {  	s17 =	sld [smem:$0x11];
	[sflag:s15] =	ssyncadd.s32 $0xFFFFFFFF  }
0x96: {  	s18 =	sld [smem:$0x12];
	(tm) =	ssettm $0x1  }
0x97: {  	s5 =	sld [smem:$0x3FFB];
	_ =	sdelay $0x3  }
0x98: {  	_ =	strace s5  }
0x99: {  	s5 =	sld [smem:$0x3FFC];
	_ =	sdelay $0x3  }
0x9a: {  	_ =	strace s5  }
0x9b: {  	s5 =	sld [smem:$0x3FFD];
	_ =	sdelay $0x3  }
0x9c: {  	_ =	strace s5  }
0x9d: {  	_ =	strace $0x8FFFFFFF  }
0x9e: {  	s19 =	sld [smem:$0x3FDB];
	_ =	sdelay $0x1  }
0x9f: {  	s6 =	simm.s32 $_scs_section_size  }
0xa0: {  	s7 =	simm.s32 $_size__tile_overlayer_lowered;
	s8 =	simm.s32 $_tile_overlayer_lowered  }
0xa1: {  	s22 =	simm.s32 $0x1BFF;
	s21 =	sshll.u32 s8, $0x1;
	s5 =	sadd.s32 s6, s19  }
0xa2: {  	s9 =	simm.s32 $0x0;
	s20 =	sshll.u32 s7, $0x1;
	s7 =	sadd.s32 s21, s5  }
0xa3: {  	[timem:s9], [sflag:s22] =	dma.local [hbm:s7], s20  }
0xa4: {  	_ =	swait.ge [sflag:s22], s20  }
0xa5: {  	s6 =	ssub.s32 $0x0, s20;
	[sflag:s22] =	ssyncset.done $0x0  }
0xa6: {  	[sflag:s22] =	ssyncadd.s32 s6;
	_ =	sdelay $0x1  }
0xa7: {  	s23 =	simm.s32 $0x1B8B  }
0xa8: {  	_ =	swait.ge [sflag:s23], $0x1  }
0xa9: {  	[sflag:s23] =	ssyncset.done $0x0  }
0xaa: {  	s25 =	simm.s32 $0x1B8E;
	s24 =	sld [smem:$0x3FFE];
	[sflag:s23] =	ssyncadd.s32 $0xFFFFFFFF  }
0xab: {  	s26 =	simm.s32 $execute0_lowered;
	[smem:$0x3FD2] =	sst s25  }
0xac: {  	s7 =	sshll.u32 s26, $0x1;
	_ =	strace $0x80000049;
	[dreg:$0x1] =	wrdreg $0xFFFFFFFF  }
0xad: {  	s28 =	simm.s32 $_size_execute0_lowered;
	s5 =	sadd.s32 s5, s7;
	[dreg:$0x0] =	wrdreg $0x0  }
0xae: {  	s7 =	sshll.u32 s28, $0x1;
	[dreg:$0x2] =	wrdreg s5  }
0xaf: {  	[dreg:$0x3] =	wrdreg s7  }
0xb0: {  	[dreg:$0x4] =	wrdreg $0xC0  }
0xb1: {  	_ =	task [dreg:s9], $0x5FFFF  }
0xb2: {  	[dreg:$0x1] =	wrdreg $0xFFFFFFFF  }
0xb3: {  	[dreg:$0x0] =	wrdreg $0x60  }
0xb4: {  	[dreg:$0x2] =	wrdreg s18  }
0xb5: {  	[dreg:$0x3] =	wrdreg s16  }
0xb6: {  	[dreg:$0x4] =	wrdreg s24  }
0xb7: {  	[dreg:$0x5] =	wrdreg s17  }
0xb8: {  	[dreg:$0x6] =	wrdreg $0xDE000  }
0xb9: {  	[dreg:$0x7] =	wrdreg $0x9  }
0xba: {  	_ =	task.clear_ibuf [dreg:s9], $0x8FFFF;
	_ =	strace $0x90000049  }
0xbb: {  	s29 =	simm.s32 $0x9;
	_ =	strace $0x8000004B  }
0xbc: {  	_ =	swait.ge [sflag:s29], $0x1  }
0xbd: {  	[sflag:s29] =	ssyncadd.s32 $0xFFFFFFFF  }
0xbe: {  	_ =	strace $0x9000004B  }
0xbf: {  	_ =	sfence  }
0xc0: {  	s30 =	sld [smem:$0x0];
	_ =	sdelay $0x2  }
0xc1: {  	s31 =	sshll.u32 s1, $0xD;
	s1 =	sshrl.u32 s1, $0x2  }
0xc2: {  	s3 =	sand.u32 $0x4000, s31;
	s1 =	sadd.s32 s1, s30  }
0xc3: {  	s0 =	sor.u32 s3, s0;
	s1 =	sshll.u32 s1, $0x11  }
0xc4: {  	s0 =	sor.u32 s1, s0  }
0xc5: {  	s0 =	sadd.s32 $0x8F2B, s0  }
0xc6: {  	[sflag:s0] =	ssyncadd.remote.s32 $0x1  }
0xc7: {  	_ =	sfence.sel $0xFFFF  }
0xc8: {  	[dreg:$0x0] =	wrdreg $0xFFFFFFFF;
	(pc) =	sbr.abs _section_cstart, $3  }
0xc9: {  	[dreg:$0x1] =	wrdreg $0xFFFFFFFF  }
0xca: {  	_ =	task.clear_ibuf [dreg:s9], $0x2FFFF;
	_ =	strace $0x9FFFFFFF  }
0xcb: {  	(tm) =	ssettm $0x7FFFFFFF  }
tec
execute0_lowered:
.L_overlay_start_1:
0x0: {  	(tag) =	ssettag $0x1  }
0x1: {  	s8 =	rddreg [dreg:$0x0]  }
0x2: {  	s5 =	rddreg [dreg:$0x1]  }
0x3: {  	s4 =	rddreg [dreg:$0x2]  }
0x4: {  	s9 =	rddreg [dreg:$0x3]  }
0x5: {  	s2 =	rddreg [dreg:$0x4];
	s0 =	stileid.u32  }
0x6: {  	s3 =	simm.s32 $0x0;
	s7 =	srdreg.scid;
	s20 =	simm.s32 $0x80  }
0x7: {  	s21 =	simm.s32 $0x9E00;
	s22 =	simm.s32 $0xBE00;
	s23 =	simm.s32 $0x1  }
0x8: {  	s24 =	simm.s32 $0x2;
	s28 =	simm.s32 $0x9D80;
	s6 =	smul.u32 $0x9E0, s0  }
0x9: {  	s29 =	simm.s32 $0x0;
	[smem:$0x7FF] =	sst s3;
	s25 =	smul.u32 $0x27800, s0  }
0xa: {  	s10 =	sand.u32 $0x1, s7;
	s26 =	smul.u32 $0x13C00, s0;
	s31 =	sshll.u32 s0, $0x6  }
0xb: {  	p0 =	seq.s32 s0, $0xF;
	_ =	strace $0x8000004A;
	s12 =	ssub.s32 $0x2, s10  }
0xc: {  	s30 =	sshll.u32 s10, $0x6;
	s14 =	smul.u32 $0x13880, s10;
	s10 =	sshll.u32 s10, $0x3  }
0xd: {  	s11 =	sadd.s32 s6, s4;
	s4 =	sadd.s32 $0xD000, s4;
	s13 =	sshrl.u32 s12, $0x1  }
0xe: {  	s7 =	sshrl.u32 s25, $0x2;
	s5 =	sadd.s32 s5, s6;
	s10 =	sadd.s32 s10, s9  }
0xf: {  	s25 =	sadd.s32 $0x94200, s2;
	s12 =	ssub.s32 s12, s13;
	s6 =	sadd.s32 s7, s2  }
0x10: {  	s7 =	sadd.s32 $0x2E00, s11;
	s11 =	sor.u32 s30, s26;
	s8 =	sadd.s32 s8, s14  }
0x11: {  	s10 =	sadd.s32 $0x25080, s10;
	s13 =	simm.s32 $0x4F00;
	s14 =	sor.u32 $0x1C03, s31  }
0x12: {  	s25 =	sshrl.u32 @p0 s25, $0x3;
	s26 =	simm.s32 $0x9D00;
	s16 =	sadd.s32 $0x2000, s6  }
0x13: {  	s17 =	sadd.s32 $0x4000, s6;
	s18 =	sadd.s32 $0x6000, s6;
	s11 =	sshrl.u32 s11, $0x3  }
0x14: {  	s19 =	sadd.s32 $0x8000, s6;
	s15 =	sshrl.u32 s6, $0x3;
	s9 =	sadd.s32 s9, s11  }
0x15: {  	s11 =	smax.u32 s12, $0x1;
	s12 =	simm.s32 $0x3;
	s16 =	sshrl.u32 s16, $0x3  }
0x16: {  	s17 =	sshrl.u32 s17, $0x3;
	s18 =	sshrl.u32 s18, $0x3;
	s19 =	sshrl.u32 s19, $0x3  }
.LBB2_1:
0x17: {  	[tilespmem:s3], [sflag:$0x3] =	stream.linear.gather [hbm4b:s5+s3], $0x4F00, $0x38;
	[tilespmem:$0x17C00] =	vst v63  }
0x18: {  	_ =	swait.ge [sflag:s12], $0x4F00  }
0x19: {  	[sflag:s12] =	ssyncset.done $0x0  }
0x1a: {  	[sflag:s12] =	ssyncadd.s32 $0xFFFFB100  }
0x1b: {  	[tilespmem:s13], [sflag:$0x3] =	stream.linear.gather [hbm4b:s7+s3], $0x4F00, $0x38;
	[tilespmem:$0x17C00] =	vst v63  }
0x1c: {  	_ =	swait.ge [sflag:s12], $0x4F00  }
0x1d: {  	[sflag:s12] =	ssyncset.done $0x0  }
0x1e: {  	[sflag:s12] =	ssyncadd.s32 $0xFFFFB100  }
0x1f: {  	[spmem:s15], [sflag:s14] =	dma.local [hbm:s4], $0x400  }
0x20: {  	_ =	swait.ge [sflag:s12], $0x400  }
0x21: {  	[sflag:s12] =	ssyncset.done $0x0  }
0x22: {  	[sflag:s12] =	ssyncadd.s32 $0xFFFFFC00  }
0x23: {  	[spmem:s16], [sflag:s14] =	dma.local [hbm:s4], $0x400  }
0x24: {  	_ =	swait.ge [sflag:s12], $0x400  }
0x25: {  	[sflag:s12] =	ssyncset.done $0x0  }
0x26: {  	[sflag:s12] =	ssyncadd.s32 $0xFFFFFC00  }
0x27: {  	[spmem:s17], [sflag:s14] =	dma.local [hbm:s4], $0x400  }
0x28: {  	_ =	swait.ge [sflag:s12], $0x400  }
0x29: {  	[sflag:s12] =	ssyncset.done $0x0  }
0x2a: {  	[sflag:s12] =	ssyncadd.s32 $0xFFFFFC00  }
0x2b: {  	[spmem:s18], [sflag:s14] =	dma.local [hbm:s4], $0x400  }
0x2c: {  	_ =	swait.ge [sflag:s12], $0x400  }
0x2d: {  	[sflag:s12] =	ssyncset.done $0x0  }
0x2e: {  	[sflag:s12] =	ssyncadd.s32 $0xFFFFFC00  }
0x2f: {  	[spmem:s19], [sflag:s14] =	dma.local [hbm:s4], $0x3C0  }
0x30: {  	_ =	swait.ge [sflag:s12], $0x3C0  }
0x31: {  	[sflag:s12] =	ssyncset.done $0x0  }
0x32: {  	[sflag:s12] =	ssyncadd.s32 $0xFFFFFC40  }
0x33: {  	[bflag:$0x0] =	sbarrier.arrive $0xFFFF  }
0x34: {  	[tilespmem:s21], [sflag:$0x1] =	stream.indirect.gather [hbm4b:s8+s20], $0x40, s3, s20, $0xb8;
	[tilespmem:$0x17C00] =	vst v63  }
0x35: {  	_ = 	snop  }
0x36: {  	[tilespmem:s22], [sflag:$0x2] =	stream.indirect.gather [hbm4b:s8+s20], $0x40, s20, s20, $0xb8;
	[tilespmem:$0x17C00] =	vst v63  }
0x37: {  	_ =	swait.ge [sflag:s23], $0x2000  }
0x38: {  	[sflag:s23] =	ssyncset.done $0x0  }
0x39: {  	s30 =	simm.s32 $0x4F00;
	[sflag:s23] =	ssyncadd.s32 $0xFFFFE000  }
0x3a: {  	[spmem:s2] =	stream.indirect.scatter.add.f32 [tilespmem:s21], [sflag:$0x3], $0x40, s30, s20, $0xb8;
	[tilespmem:$0x17C00] =	vst v63  }
0x3b: {  	_ =	swait.ge [sflag:s12], $0x2000  }
0x3c: {  	[sflag:s12] =	ssyncset.done $0x0  }
0x3d: {  	s30 =	simm.s32 $0x100;
	[sflag:s12] =	ssyncadd.s32 $0xFFFFE000  }
0x3e: {  	[tilespmem:s21], [sflag:$0x1] =	stream.indirect.gather [hbm4b:s8+s20], $0x40, s30, s20, $0xb8;
	[tilespmem:$0x17C00] =	vst v63  }
0x3f: {  	_ =	swait.ge [sflag:s24], $0x2000  }
0x40: {  	[sflag:s24] =	ssyncset.done $0x0  }
0x41: {  	s30 =	simm.s32 $0x4F80;
	[sflag:s24] =	ssyncadd.s32 $0xFFFFE000  }
0x42: {  	[spmem:s2] =	stream.indirect.scatter.add.f32 [tilespmem:s22], [sflag:$0x3], $0x40, s30, s20, $0xb8;
	[tilespmem:$0x17C00] =	vst v63  }
0x43: {  	_ =	swait.ge [sflag:s12], $0x2000  }
0x44: {  	[sflag:s12] =	ssyncset.done $0x0  }
0x45: {  	s31 =	simm.s32 $0x180;
	s30 =	simm.s32 $0x400;
	[sflag:s12] =	ssyncadd.s32 $0xFFFFE000  }
.LBB2_2:
0x46: {  	[tilespmem:s22], [sflag:$0x2] =	stream.indirect.gather [hbm4b:s8+s20], $0x40, s31, s20, $0xb8;
	[tilespmem:$0x17C00] =	vst v63  }
0x47: {  	s31 =	smov.u32 s30  }
0x48: {  	p1 =	sne.s32 s30, $0x13400;
	s30 =	sadd.s32 $0x400, s30;
	_ =	swait.ge [sflag:s23], $0x2000  }
0x49: {  	s31 =	sshra.s32 s31, $0x2;
	[sflag:s23] =	ssyncset.done $0x0  }
0x4a: {  	s0 =	sadd.s32 $0x4F00, s31;
	[sflag:s23] =	ssyncadd.s32 $0xFFFFE000  }
0x4b: {  	[spmem:s2] =	stream.indirect.scatter.add.f32 [tilespmem:s21], [sflag:$0x3], $0x40, s0, s20, $0xb8;
	[tilespmem:$0x17C00] =	vst v63  }
0x4c: {  	_ =	swait.ge [sflag:s12], $0x2000  }
0x4d: {  	[sflag:s12] =	ssyncset.done $0x0  }
0x4e: {  	s0 =	sadd.s32 $0x100, s31;
	[sflag:s12] =	ssyncadd.s32 $0xFFFFE000  }
0x4f: {  	[tilespmem:s21], [sflag:$0x1] =	stream.indirect.gather [hbm4b:s8+s20], $0x40, s0, s20, $0xb8;
	[tilespmem:$0x17C00] =	vst v63  }
0x50: {  	_ =	swait.ge [sflag:s24], $0x2000  }
0x51: {  	[sflag:s24] =	ssyncset.done $0x0  }
.Ltmp0:
0x52: {  	s0 =	sadd.s32 $0x4F80, s31;
	[sflag:s24] =	ssyncadd.s32 $0xFFFFE000;
	(pc) =	sbr.rel @p1 .LBB2_2-.Ltmp0, $4  }
0x53: {  	[spmem:s2] =	stream.indirect.scatter.add.f32 [tilespmem:s22], [sflag:$0x3], $0x40, s0, s20, $0xb8;
	[tilespmem:$0x17C00] =	vst v63  }
0x54: {  	_ =	swait.ge [sflag:s12], $0x2000  }
0x55: {  	[sflag:s12] =	ssyncset.done $0x0  }
0x56: {  	s31 =	sadd.s32 $0x180, s31;
	[sflag:s12] =	ssyncadd.s32 $0xFFFFE000  }
0x57: {  	[tilespmem:s22], [sflag:$0x2] =	stream.indirect.gather [hbm4b:s8+s20], $0x40, s31, s20, $0xb8;
	[tilespmem:$0x17C00] =	vst v63  }
0x58: {  	_ =	swait.ge [sflag:s23], $0x2000  }
0x59: {  	[sflag:s23] =	ssyncset.done $0x0  }
0x5a: {  	[sflag:s23] =	ssyncadd.s32 $0xFFFFE000  }
0x5b: {  	[spmem:s2] =	stream.indirect.scatter.add.f32 [tilespmem:s21], [sflag:$0x3], $0x40, s26, s20, $0xb8;
	[tilespmem:$0x17C00] =	vst v63  }
0x5c: {  	_ =	swait.ge [sflag:s12], $0x2000  }
0x5d: {  	[sflag:s12] =	ssyncset.done $0x0  }
0x5e: {  	[sflag:s12] =	ssyncadd.s32 $0xFFFFE000  }
0x5f: {  	_ =	swait.ge [sflag:s24], $0x2000  }
0x60: {  	[sflag:s24] =	ssyncset.done $0x0  }
0x61: {  	[sflag:s24] =	ssyncadd.s32 $0xFFFFE000  }
0x62: {  	[spmem:s2] =	stream.indirect.scatter.add.f32 [tilespmem:s22], [sflag:$0x3], $0x40, s28, s20, $0xb8;
	[tilespmem:$0x17C00] =	vst v63  }
0x63: {  	_ =	swait.ge [sflag:s12], $0x2000  }
0x64: {  	[sflag:s12] =	ssyncset.done $0x0  }
0x65: {  	s0 =	simm.s32 @p0 $0x1;
	[sflag:s12] =	ssyncadd.s32 $0xFFFFE000  }
0x66: {  	s30 =	simm.s32 @p0 $0x10;
	s31 =	simm.s32 @p0 $0x8;
	[bflag:$0x0] =	sbarrier.arrive $0xFFFF  }
0x67: {  	[hbm:s10@s30], [sflag:s14] =	dma.strided @p0 [spmem:s25@s31], $0x1040, s0, $0x8   }
0x68: {  	s0 =	simm.s32 @p0 $0x3  }
0x69: {  	s1 =	simm.s32 @!p0 $0x8;
	s29 =	sadd.s32 $0x1, s29;
	_ =	swait.ge @p0 [sflag:s0], $0x1040  }
0x6a: {  	p1 =	sne.s32 s29, s11;
	s30 =	simm.s32 @!p0 $0x1;
	[sflag:s0] =	ssyncset.done @p0 $0x0  }
0x6b: {  	s31 =	simm.s32 @!p0 $0x10;
	[sflag:s0] =	ssyncadd.s32 @p0 $0xFFFFEFC0;
	s0 =	sshrl.u32 @!p0 s6, $0x3  }
0x6c: {  	[hbm:s9@s31], [sflag:s14] =	dma.strided @!p0 [spmem:s0@s1], $0x13C0, s30, $0x8   }
.Ltmp1:
0x6d: {  	_ = 	snop;
	(pc) =	sbr.rel @p1 .LBB2_1-.Ltmp1, $4  }
0x6e: {  	s0 =	simm.s32 @!p0 $0x3  }
0x6f: {  	_ =	swait.ge @!p0 [sflag:s0], $0x13C0  }
0x70: {  	[sflag:s0] =	ssyncset.done @!p0 $0x0  }
0x71: {  	[sflag:s0] =	ssyncadd.s32 @!p0 $0xFFFFEC40  }
0x72: {  	_ =	sfence.sel $0x180000  }
0x73: {  	[bflag:$0x0] =	sbarrier.arrive $0xFFFF  }
0x74: {  	_ =	strace $0x9000004A  }
0x75: {  	s0 =	stileid.u32;
	[bflag:$0x2] =	sbarrier.arrive $0xFFFF  }
0x76: {  	p0 =	sne.s32 s0, $0x0;
	s0 =	rddreg [dreg:$0x5]  }
0x77: {  	s0 =	sadd.s32 @!p0 $0x100000, s0  }
0x78: {  	[sflag:s0] =	ssyncadd.tile.s32 @!p0 $0x1;
	_ =	shalt  }
.Lfunc_end2:
_tile_overlayer_lowered:
.L_overlay_start_2:
0x79: {  	(tag) =	ssettag $0x2  }
0x7a: {  	s0 =	rddreg [dreg:$0x0];
	s2 =	stileid.u32  }
0x7b: {  	s1 =	rddreg [dreg:$0x1];
	p0 =	sne.s32 s2, $0x0  }
0x7c: {  	s3 =	rddreg [dreg:$0x2];
	[bflag:$0x3] =	sbarrier.arrive $0xFFFF;
	s2 =	simm.s32 @!p0 $0x1C03  }
0x7d: {  	[timem:s3], [sflag:s2] =	dma.local @!p0 [hbm:s0], s1  }
0x7e: {  	s0 =	simm.s32 @!p0 $0x3  }
0x7f: {  	_ =	swait.ge @!p0 [sflag:s0], s1  }
0x80: {  	s1 =	ssub.s32 @!p0 $0x0, s1;
	[sflag:s0] =	ssyncset.done @!p0 $0x0  }
0x81: {  	[sflag:s0] =	ssyncadd.s32 @!p0 s1  }
0x82: {  	[bflag:$0x3] =	sbarrier.arrive $0xFFFF  }
0x83: {  	_ =	shalt  }

</sc_bundles>
